<compile_context>
chip_gen: v7x
topology: tpu7x:2x2x1
jax: 0.10.2.dev20260603
libtpu: 0.0.44.dev20260713+nightly
codegen_flags: <defaults>
</compile_context>

<pallas_src>
import functools

import jax
import jax.numpy as jnp
from jax import lax
from jax.experimental import pallas as pl
from jax.experimental.pallas import tpu as pltpu
from jax.experimental.pallas import tpu_sc as plsc

B, N, D, C, E = 1024, 20000, 64, 17, 5
TAU, K = 10.0, 20
DP = 128
CP = 32
NP = 20480
NA = 2048
BB = 256
NEG_BIG = -1e30


def _rownorm(x):
    n = jnp.sqrt(jnp.sum(x * x, axis=1, keepdims=True))
    return x / jnp.maximum(n, 1e-12)


def _stage1a_body(sup_ref, lab_ref, alpha_ref, gamma_ref, bias_ref, w_ref,
                  u_ref, cnt_ref):
    @pl.when(pl.program_id(0) == 0)
    def _init():
        u_ref[...] = jnp.zeros_like(u_ref)
        cnt_ref[...] = jnp.zeros_like(cnt_ref)

    sup = sup_ref[...]
    lab = lab_ref[...]
    w = w_ref[...]
    ones = jnp.ones((NA, DP), jnp.float32)
    cnt_ref[...] += lax.dot_general(lab, ones, (((0,), (0,)), ((), ())),
                                    preferred_element_type=jnp.float32)
    for e in range(E):
        r = sup * alpha_ref[e:e + 1, :]
        mlp = lax.dot_general(r, w, (((1,), (1,)), ((), ())),
                              preferred_element_type=jnp.float32)
        mlp = mlp * gamma_ref[e:e + 1, :] + bias_ref[e:e + 1, :]
        u_ref[e * CP:(e + 1) * CP, :] += lax.dot_general(
            lab, mlp, (((0,), (0,)), ((), ())),
            preferred_element_type=jnp.float32)


def _stage1b_body(sup_ref, alpha_ref, gamma_ref, bias_ref, w_ref,
                  u_ref, cnt_ref, q_ref, ya_ref):
    sup = sup_ref[...]
    w = w_ref[...]
    yn = _rownorm(sup)
    yy = jnp.sum(yn * yn, axis=1, keepdims=True)
    rowid = pl.program_id(0) * NA + lax.broadcasted_iota(jnp.int32, (NA, 1), 0)
    yy = jnp.where(rowid < N, yy, 1e30)
    lane_y = lax.broadcasted_iota(jnp.int32, (NA, DP), 1)
    ya_ref[...] = jnp.where(lane_y == D, yy, yn)
    lane_c = lax.broadcasted_iota(jnp.int32, (NA, CP), 1)
    qacc = jnp.zeros((NA, CP), jnp.float32)
    for e in range(E):
        r = sup * alpha_ref[e:e + 1, :]
        mlp = lax.dot_general(r, w, (((1,), (1,)), ((), ())),
                              preferred_element_type=jnp.float32)
        mlp = mlp * gamma_ref[e:e + 1, :] + bias_ref[e:e + 1, :]
        tz = _rownorm(mlp)
        cen = u_ref[e * CP:(e + 1) * CP, :] / (cnt_ref[...] + 1e-12)
        cenn = _rownorm(cen)
        logits = TAU * lax.dot_general(tz, cenn, (((1,), (1,)), ((), ())),
                                       preferred_element_type=jnp.float32)
        logits = jnp.where(lane_c < C, logits, NEG_BIG)
        m = jnp.max(logits, axis=1, keepdims=True)
        p = jnp.exp(logits - m)
        qacc = qacc + p / jnp.sum(p, axis=1, keepdims=True)
    q_ref[...] = jnp.concatenate(
        [qacc * (1.0 / (E * K)), jnp.zeros((NA, DP - CP), jnp.float32)],
        axis=1)


NCH = 2
NB = NP // NCH


def _stage2_body(z_ref, ya_ref, idx_ref, wb3):
    zb = z_ref[...]
    x = _rownorm(zb)
    lane_d = lax.broadcasted_iota(jnp.int32, (BB, DP), 1)
    xa = jnp.where(lane_d == D, 1.0, -2.0 * x)
    for j in range(NCH):
        for t in range(NB // NA):
            wb3[j, :, t * NA:(t + 1) * NA] = lax.dot_general(
                xa, ya_ref[j * NB + t * NA:j * NB + (t + 1) * NA, :],
                (((1,), (1,)), ((), ())),
                preferred_element_type=jnp.float32)

    lane_c = lax.broadcasted_iota(jnp.int32, (BB, NB), 1)
    lane_k = lax.broadcasted_iota(jnp.int32, (BB, 128), 1)
    big_i = jnp.int32(2**30)

    def mn_body(j, cur):
        return jnp.minimum(cur, jnp.min(wb3[j], axis=1, keepdims=True))
    mn0 = lax.fori_loop(0, NCH, mn_body,
                        jnp.full((BB, 1), jnp.inf, jnp.float32))

    def kbody(k, carry):
        mn, sels = carry

        def sweep(j, c2):
            cur, nxt = c2
            w = wb3[j]
            candj = jnp.min(jnp.where(w == mn, lane_c, big_i),
                            axis=1, keepdims=True)
            local_win = jnp.logical_and(cur == big_i, candj < big_i)
            clearmask = jnp.logical_and(local_win, lane_c == candj)
            neww = jnp.where(clearmask, jnp.float32(1e30), w)
            wb3[j] = neww
            cur = jnp.where(local_win, candj + j * NB, cur)
            nxt = jnp.minimum(nxt, jnp.min(neww, axis=1, keepdims=True))
            return cur, nxt

        sel, nmn = lax.fori_loop(
            0, NCH, sweep,
            (jnp.full((BB, 1), big_i),
             jnp.full((BB, 1), jnp.inf, jnp.float32)))
        return nmn, jnp.where(lane_k == k, sel, sels)

    _, sels = lax.fori_loop(0, K, kbody,
                            (mn0, jnp.zeros((BB, 128), jnp.int32)))
    idx_ref[...] = sels


_NC, _NS = 2, 16
_NW = _NC * _NS
_QPW = B // _NW
_IPW = _QPW * K
_ICH = _IPW // 128


def _sc_gather_body(q_hbm, idx_hbm, out_hbm, idx_v, rows_v, acc_v, sem):
    wid = lax.axis_index("s") * _NC + lax.axis_index("c")
    for j in range(_ICH):
        pltpu.sync_copy(idx_hbm.at[pl.ds(wid * _IPW + j * 128, 128)],
                        idx_v.at[j])
    copies = [
        pltpu.async_copy(q_hbm.at[idx_v.at[j]],
                         rows_v.at[pl.ds(j * 128, 128)], sem)
        for j in range(_ICH)
    ]
    for cp in copies:
        cp.wait()

    def qbody(i, _):
        a0 = jnp.zeros((16,), jnp.float32)
        a1 = jnp.zeros((16,), jnp.float32)
        for j in range(K):
            a0 = a0 + rows_v[i * K + j, pl.ds(0, 16)]
            a1 = a1 + rows_v[i * K + j, pl.ds(16, 16)]
        acc_v[i, pl.ds(0, 16)] = a0
        acc_v[i, pl.ds(16, 16)] = a1
        z16 = jnp.zeros((16,), jnp.float32)
        for h in range(2, 8):
            acc_v[i, pl.ds(h * 16, 16)] = z16
        return 0

    lax.fori_loop(0, _QPW, qbody, 0)
    pltpu.sync_copy(acc_v, out_hbm.at[pl.ds(wid * _QPW, _QPW)])


@functools.cache
def _build_sc_gather():
    return functools.partial(
        pl.kernel,
        out_type=jax.ShapeDtypeStruct((B, DP), jnp.float32),
        mesh=plsc.VectorSubcoreMesh(core_axis_name="c", subcore_axis_name="s"),
        scratch_types=[
            pltpu.VMEM((_ICH, 128), jnp.int32),
            pltpu.VMEM((_IPW, DP), jnp.float32),
            pltpu.VMEM((_QPW, DP), jnp.float32),
            pltpu.SemaphoreType.DMA,
        ],
    )(_sc_gather_body)


def kernel(z, supports, labels, weight, alpha_be, gamma_be, ensemble_bias):
    f32 = jnp.float32
    zp = jnp.pad(z.astype(f32), ((0, 0), (0, DP - D)))
    supp = jnp.pad(supports.astype(f32), ((0, NP - N), (0, DP - D)))
    labp = jnp.pad(labels.astype(f32), ((0, NP - N), (0, CP - C)))
    wp = jnp.pad(weight.astype(f32), ((0, DP - D), (0, DP - D)))
    ap = jnp.pad(alpha_be.astype(f32), ((0, 8 - E), (0, DP - D)))
    gp = jnp.pad(gamma_be.astype(f32), ((0, 8 - E), (0, DP - D)))
    bp = jnp.pad(ensemble_bias.astype(f32), ((0, 8 - E), (0, DP - D)))

    grid1 = (NP // NA,)
    full = lambda shape: pl.BlockSpec(shape, lambda i: (0, 0))
    u, cnt = pl.pallas_call(
        _stage1a_body,
        grid=grid1,
        in_specs=[
            pl.BlockSpec((NA, DP), lambda i: (i, 0)),
            pl.BlockSpec((NA, CP), lambda i: (i, 0)),
            full((8, DP)), full((8, DP)), full((8, DP)), full((DP, DP)),
        ],
        out_specs=(full((E * CP, DP)), full((CP, DP))),
        out_shape=(jax.ShapeDtypeStruct((E * CP, DP), f32),
                   jax.ShapeDtypeStruct((CP, DP), f32)),
    )(supp, labp, ap, gp, bp, wp)

    q, ya = pl.pallas_call(
        _stage1b_body,
        grid=grid1,
        in_specs=[
            pl.BlockSpec((NA, DP), lambda i: (i, 0)),
            full((8, DP)), full((8, DP)), full((8, DP)), full((DP, DP)),
            full((E * CP, DP)), full((CP, DP)),
        ],
        out_specs=(pl.BlockSpec((NA, DP), lambda i: (i, 0)),
                   pl.BlockSpec((NA, DP), lambda i: (i, 0))),
        out_shape=(jax.ShapeDtypeStruct((NP, DP), f32),
                   jax.ShapeDtypeStruct((NP, DP), f32)),
    )(supp, ap, gp, bp, wp, u, cnt)

    idx = pl.pallas_call(
        _stage2_body,
        grid=(B // BB,),
        in_specs=[
            pl.BlockSpec((BB, DP), lambda i: (i, 0)),
            pl.BlockSpec((NP, DP), lambda i: (0, 0)),
        ],
        out_specs=pl.BlockSpec((BB, 128), lambda i: (i, 0)),
        out_shape=jax.ShapeDtypeStruct((B, 128), jnp.int32),
        scratch_shapes=[pltpu.VMEM((NCH, BB, NB), f32)],
    )(zp, ya)

    idx_flat = idx[:, :K].reshape(B * K)
    out = _build_sc_gather()(q, idx_flat)
    return out[:, :C]

# --- scband reference (transcript-rebuilt; emitter-appended) ---
"""Pipeline reference for scband-tast-89343909691533 (READ-ONLY COPY).

The authoritative reference and input builder live on the scoring server;
editing this copy changes nothing except your own understanding.
"""

import jax, jax.numpy as jnp
import numpy as np

B, N, D, C, E = 1024, 20000, 64, 17, 5
TAU, K = 10.0, 20


def _normalize(x, axis=1):
    n = jnp.linalg.norm(x, axis=axis, keepdims=True)
    return x / jnp.maximum(n, 1e-12)


def _batch_ensemble(x, weight, alpha, gamma, ens_bias):
    # BatchEnsemble projection head: x (B,D) -> (E,B,D) -> flattened (E*B, D) semantics
    r = x[None, :, :] * alpha[:, None, :]
    w = jnp.einsum('ebd,od->ebo', r, weight)
    return w * gamma[:, None, :] + ens_bias[:, None, :]


def _compute_logits(z, supports, labels, weight, alpha, gamma, ens_bias):
    mlp_z = _batch_ensemble(z, weight, alpha, gamma, ens_bias)        # (E, B, D)
    mlp_s = _batch_ensemble(supports, weight, alpha, gamma, ens_bias) # (E, N, D)
    lab_norm = labels / (labels.sum(axis=0, keepdims=True) + 1e-12)   # (N, C)
    centroids = jnp.einsum('nc,end->ecd', lab_norm, mlp_s)            # (E, C, D)
    tz = _normalize(mlp_z, axis=2)
    tc = _normalize(centroids, axis=2)
    return TAU * jnp.einsum('ebd,ecd->ebc', tz, tc)                   # (E, B, C)


def setup_inputs(seed: int = 0):
    key = jax.random.key(seed)
    ks = jax.random.split(key, 7)
    z = jax.random.normal(ks[0], (B, D), dtype=jnp.float32)
    supports = jax.random.normal(ks[1], (N, D), dtype=jnp.float32)
    labels = jax.nn.one_hot(jax.random.randint(ks[2], (N,), 0, C), C, dtype=jnp.float32)
    weight = jax.random.normal(ks[3], (D, D), dtype=jnp.float32) / np.sqrt(D)
    alpha_be = 1.0 + 0.5 * jax.random.normal(ks[4], (E, D), dtype=jnp.float32)
    gamma_be = 1.0 + 0.5 * jax.random.normal(ks[5], (E, D), dtype=jnp.float32)
    ensemble_bias = jnp.zeros((E, D), dtype=jnp.float32)
    return {"z": z, "supports": supports, "labels": labels, "weight": weight,
            "alpha_be": alpha_be, "gamma_be": gamma_be, "ensemble_bias": ensemble_bias}


def reference(z, supports, labels, weight, alpha_be, gamma_be, ensemble_bias):
    # cosine_distance_einsum
    X = _normalize(z, axis=1)
    Y = _normalize(supports, axis=1)
    XX = jnp.einsum('nd,nd->n', X, X)[:, None]
    YY = jnp.einsum('md,md->m', Y, Y)
    XY = 2.0 * (X @ Y.T)
    dist = XX + YY[None, :] - XY
    W = jnp.exp(-dist)
    # top-k neighbor selection over support set
    _vals, idx = jax.lax.top_k(W, K)
    topk_ind = jnp.zeros(W.shape, W.dtype).at[jnp.arange(W.shape[0])[:, None], idx].set(1.0)
    # pseudo-labels of supports from prototype classifier (BatchEnsemble heads)
    temp_labels = _compute_logits(supports, supports, labels, weight, alpha_be, gamma_be, ensemble_bias)  # (E, N, C)
    tl_targets = jax.nn.one_hot(jnp.argmax(temp_labels, axis=-1), C, dtype=jnp.float32)
    tl_outputs = jax.nn.softmax(temp_labels, axis=-1)
    # aggregate over kNN supports (topk_ind shared across ensembles, as in repeat+bmm)
    targets = jnp.einsum('bn,enc->ebc', topk_ind, tl_targets)
    targets = targets / (targets.sum(axis=2, keepdims=True) + 1e-12)
    outputs = jnp.einsum('bn,enc->ebc', topk_ind, tl_outputs)
    outputs = outputs / (outputs.sum(axis=2, keepdims=True) + 1e-12)
    outputs = outputs.mean(axis=0)
    return outputs

if __name__ == "__main__":
    import jax
    _d = setup_inputs()
    print(jax.jit(kernel)(*tuple(_d.values())))

</pallas_src>

<mosaic_0001>
#map = affine_map<(d0, d1) -> (0, 0)>
#map1 = affine_map<(d0, d1) -> (0)>
module attributes {stable_mosaic.version = 14 : i64} {
  func.func @_sc_gather_body(%arg0: i32, %arg1: i32, %arg2: memref<20480x128xf32, #tpu.memory_space<hbm>>, %arg3: memref<20480xi32, #tpu.memory_space<hbm>>, %arg4: memref<1024x128xf32, #tpu.memory_space<hbm>>, %arg5: memref<5x128xi32, #tpu.memory_space<vmem>>, %arg6: memref<640x128xf32, #tpu.memory_space<vmem>>, %arg7: memref<32x128xf32, #tpu.memory_space<vmem>>, %arg8: memref<!tpu.dma_semaphore, #tpu.memory_space<semaphore_mem>>) attributes {dimension_semantics = [#tpu.dimension_semantics<core_parallel>, #tpu.dimension_semantics<subcore_parallel>], iteration_bounds = array<i64: 2, 16>, scalar_prefetch = 0 : i64, scratch_operands = 4 : i64, tpu.core_type = #tpu.core_type<sc_vector_subcore>, window_params = [{transform_indices = #map}, {transform_indices = #map1}, {transform_indices = #map}]} {
    %mul3A = arith.constant 2 : i32
    %mul3A_0 = arith.muli %arg1, %mul3A : i32
    %add3A = arith.addi %mul3A_0, %arg0 : i32
    %mul3A_1 = arith.constant 640 : i32
    %mul3A_2 = arith.muli %add3A, %mul3A_1 : i32
    %add3A_3 = arith.constant 0 : i32
    %add3A_4 = arith.addi %mul3A_2, %add3A_3 : i32
    %run_scoped3A = arith.constant 0 : i32
    "tpu.region"() ({
      %run_scoped3A_131 = tpu.sem_alloc : memref<!tpu.dma_semaphore, #tpu.memory_space<semaphore_mem>>
      %dma_start3A_132 = arith.constant 0 : i32
      %dma_start3A_133 = tpu.memref_slice %arg5[%run_scoped3A, %dma_start3A_132] : memref<5x128xi32, #tpu.memory_space<vmem>> -> memref<1x128xi32, #tpu.memory_space<vmem>>
      %dma_start3A_134 = tpu.memref_squeeze %dma_start3A_133 : memref<1x128xi32, #tpu.memory_space<vmem>> -> memref<128xi32, #tpu.memory_space<vmem>>
      %dma_start3A_135 = tpu.memref_slice %arg3[%add3A_4] : memref<20480xi32, #tpu.memory_space<hbm>> -> memref<128xi32, #tpu.memory_space<hbm>>
      %dma_start3A_136 = arith.constant 0 : i32
      %dma_start3A_137 = tpu.memref_slice %arg5[%run_scoped3A, %dma_start3A_136] : memref<5x128xi32, #tpu.memory_space<vmem>> -> memref<1x128xi32, #tpu.memory_space<vmem>>
      %dma_start3A_138 = tpu.memref_squeeze %dma_start3A_137 : memref<1x128xi32, #tpu.memory_space<vmem>> -> memref<128xi32, #tpu.memory_space<vmem>>
      %dma_start3A_139 = tpu.memref_slice %arg3[%add3A_4] : memref<20480xi32, #tpu.memory_space<hbm>> -> memref<128xi32, #tpu.memory_space<hbm>>
      tpu.enqueue_dma source(%dma_start3A_139 : memref<128xi32, #tpu.memory_space<hbm>>) target(%dma_start3A_138 : memref<128xi32, #tpu.memory_space<vmem>>) target_semaphore(%run_scoped3A_131 : memref<!tpu.dma_semaphore, #tpu.memory_space<semaphore_mem>>)
      %dma_wait3A_140 = arith.constant 0 : i32
      %dma_wait3A_141 = tpu.memref_slice %arg5[%run_scoped3A, %dma_wait3A_140] : memref<5x128xi32, #tpu.memory_space<vmem>> -> memref<1x128xi32, #tpu.memory_space<vmem>>
      %dma_wait3A_142 = tpu.memref_squeeze %dma_wait3A_141 : memref<1x128xi32, #tpu.memory_space<vmem>> -> memref<128xi32, #tpu.memory_space<vmem>>
      %dma_wait3A_143 = tpu.memref_slice %arg3[%add3A_4] : memref<20480xi32, #tpu.memory_space<hbm>> -> memref<128xi32, #tpu.memory_space<hbm>>
      %dma_wait3A_144 = arith.constant 0 : i32
      %dma_wait3A_145 = tpu.memref_slice %arg5[%run_scoped3A, %dma_wait3A_144] : memref<5x128xi32, #tpu.memory_space<vmem>> -> memref<1x128xi32, #tpu.memory_space<vmem>>
      %dma_wait3A_146 = tpu.memref_squeeze %dma_wait3A_145 : memref<1x128xi32, #tpu.memory_space<vmem>> -> memref<128xi32, #tpu.memory_space<vmem>>
      %dma_wait3A_147 = tpu.memref_slice %arg3[%add3A_4] : memref<20480xi32, #tpu.memory_space<hbm>> -> memref<128xi32, #tpu.memory_space<hbm>>
      tpu.wait_dma2 semaphore(%run_scoped3A_131 : memref<!tpu.dma_semaphore, #tpu.memory_space<semaphore_mem>>) src(%dma_wait3A_147 : memref<128xi32, #tpu.memory_space<hbm>>) dst(%dma_wait3A_146 : memref<128xi32, #tpu.memory_space<vmem>>)
      tpu.yield
    }) : () -> ()
    %mul3A_5 = arith.constant 640 : i32
    %mul3A_6 = arith.muli %add3A, %mul3A_5 : i32
    %add3A_7 = arith.constant 128 : i32
    %add3A_8 = arith.addi %mul3A_6, %add3A_7 : i32
    %run_scoped3A_9 = arith.constant 1 : i32
    "tpu.region"() ({
      %run_scoped3A_131 = tpu.sem_alloc : memref<!tpu.dma_semaphore, #tpu.memory_space<semaphore_mem>>
      %dma_start3A_132 = arith.constant 0 : i32
      %dma_start3A_133 = tpu.memref_slice %arg5[%run_scoped3A_9, %dma_start3A_132] : memref<5x128xi32, #tpu.memory_space<vmem>> -> memref<1x128xi32, #tpu.memory_space<vmem>>
      %dma_start3A_134 = tpu.memref_squeeze %dma_start3A_133 : memref<1x128xi32, #tpu.memory_space<vmem>> -> memref<128xi32, #tpu.memory_space<vmem>>
      %dma_start3A_135 = tpu.memref_slice %arg3[%add3A_8] : memref<20480xi32, #tpu.memory_space<hbm>> -> memref<128xi32, #tpu.memory_space<hbm>>
      %dma_start3A_136 = arith.constant 0 : i32
      %dma_start3A_137 = tpu.memref_slice %arg5[%run_scoped3A_9, %dma_start3A_136] : memref<5x128xi32, #tpu.memory_space<vmem>> -> memref<1x128xi32, #tpu.memory_space<vmem>>
      %dma_start3A_138 = tpu.memref_squeeze %dma_start3A_137 : memref<1x128xi32, #tpu.memory_space<vmem>> -> memref<128xi32, #tpu.memory_space<vmem>>
      %dma_start3A_139 = tpu.memref_slice %arg3[%add3A_8] : memref<20480xi32, #tpu.memory_space<hbm>> -> memref<128xi32, #tpu.memory_space<hbm>>
      tpu.enqueue_dma source(%dma_start3A_139 : memref<128xi32, #tpu.memory_space<hbm>>) target(%dma_start3A_138 : memref<128xi32, #tpu.memory_space<vmem>>) target_semaphore(%run_scoped3A_131 : memref<!tpu.dma_semaphore, #tpu.memory_space<semaphore_mem>>)
      %dma_wait3A_140 = arith.constant 0 : i32
      %dma_wait3A_141 = tpu.memref_slice %arg5[%run_scoped3A_9, %dma_wait3A_140] : memref<5x128xi32, #tpu.memory_space<vmem>> -> memref<1x128xi32, #tpu.memory_space<vmem>>
      %dma_wait3A_142 = tpu.memref_squeeze %dma_wait3A_141 : memref<1x128xi32, #tpu.memory_space<vmem>> -> memref<128xi32, #tpu.memory_space<vmem>>
      %dma_wait3A_143 = tpu.memref_slice %arg3[%add3A_8] : memref<20480xi32, #tpu.memory_space<hbm>> -> memref<128xi32, #tpu.memory_space<hbm>>
      %dma_wait3A_144 = arith.constant 0 : i32
      %dma_wait3A_145 = tpu.memref_slice %arg5[%run_scoped3A_9, %dma_wait3A_144] : memref<5x128xi32, #tpu.memory_space<vmem>> -> memref<1x128xi32, #tpu.memory_space<vmem>>
      %dma_wait3A_146 = tpu.memref_squeeze %dma_wait3A_145 : memref<1x128xi32, #tpu.memory_space<vmem>> -> memref<128xi32, #tpu.memory_space<vmem>>
      %dma_wait3A_147 = tpu.memref_slice %arg3[%add3A_8] : memref<20480xi32, #tpu.memory_space<hbm>> -> memref<128xi32, #tpu.memory_space<hbm>>
      tpu.wait_dma2 semaphore(%run_scoped3A_131 : memref<!tpu.dma_semaphore, #tpu.memory_space<semaphore_mem>>) src(%dma_wait3A_147 : memref<128xi32, #tpu.memory_space<hbm>>) dst(%dma_wait3A_146 : memref<128xi32, #tpu.memory_space<vmem>>)
      tpu.yield
    }) : () -> ()
    %mul3A_10 = arith.constant 640 : i32
    %mul3A_11 = arith.muli %add3A, %mul3A_10 : i32
    %add3A_12 = arith.constant 256 : i32
    %add3A_13 = arith.addi %mul3A_11, %add3A_12 : i32
    %run_scoped3A_14 = arith.constant 2 : i32
    "tpu.region"() ({
      %run_scoped3A_131 = tpu.sem_alloc : memref<!tpu.dma_semaphore, #tpu.memory_space<semaphore_mem>>
      %dma_start3A_132 = arith.constant 0 : i32
      %dma_start3A_133 = tpu.memref_slice %arg5[%run_scoped3A_14, %dma_start3A_132] : memref<5x128xi32, #tpu.memory_space<vmem>> -> memref<1x128xi32, #tpu.memory_space<vmem>>
      %dma_start3A_134 = tpu.memref_squeeze %dma_start3A_133 : memref<1x128xi32, #tpu.memory_space<vmem>> -> memref<128xi32, #tpu.memory_space<vmem>>
      %dma_start3A_135 = tpu.memref_slice %arg3[%add3A_13] : memref<20480xi32, #tpu.memory_space<hbm>> -> memref<128xi32, #tpu.memory_space<hbm>>
      %dma_start3A_136 = arith.constant 0 : i32
      %dma_start3A_137 = tpu.memref_slice %arg5[%run_scoped3A_14, %dma_start3A_136] : memref<5x128xi32, #tpu.memory_space<vmem>> -> memref<1x128xi32, #tpu.memory_space<vmem>>
      %dma_start3A_138 = tpu.memref_squeeze %dma_start3A_137 : memref<1x128xi32, #tpu.memory_space<vmem>> -> memref<128xi32, #tpu.memory_space<vmem>>
      %dma_start3A_139 = tpu.memref_slice %arg3[%add3A_13] : memref<20480xi32, #tpu.memory_space<hbm>> -> memref<128xi32, #tpu.memory_space<hbm>>
      tpu.enqueue_dma source(%dma_start3A_139 : memref<128xi32, #tpu.memory_space<hbm>>) target(%dma_start3A_138 : memref<128xi32, #tpu.memory_space<vmem>>) target_semaphore(%run_scoped3A_131 : memref<!tpu.dma_semaphore, #tpu.memory_space<semaphore_mem>>)
      %dma_wait3A_140 = arith.constant 0 : i32
      %dma_wait3A_141 = tpu.memref_slice %arg5[%run_scoped3A_14, %dma_wait3A_140] : memref<5x128xi32, #tpu.memory_space<vmem>> -> memref<1x128xi32, #tpu.memory_space<vmem>>
      %dma_wait3A_142 = tpu.memref_squeeze %dma_wait3A_141 : memref<1x128xi32, #tpu.memory_space<vmem>> -> memref<128xi32, #tpu.memory_space<vmem>>
      %dma_wait3A_143 = tpu.memref_slice %arg3[%add3A_13] : memref<20480xi32, #tpu.memory_space<hbm>> -> memref<128xi32, #tpu.memory_space<hbm>>
      %dma_wait3A_144 = arith.constant 0 : i32
      %dma_wait3A_145 = tpu.memref_slice %arg5[%run_scoped3A_14, %dma_wait3A_144] : memref<5x128xi32, #tpu.memory_space<vmem>> -> memref<1x128xi32, #tpu.memory_space<vmem>>
      %dma_wait3A_146 = tpu.memref_squeeze %dma_wait3A_145 : memref<1x128xi32, #tpu.memory_space<vmem>> -> memref<128xi32, #tpu.memory_space<vmem>>
      %dma_wait3A_147 = tpu.memref_slice %arg3[%add3A_13] : memref<20480xi32, #tpu.memory_space<hbm>> -> memref<128xi32, #tpu.memory_space<hbm>>
      tpu.wait_dma2 semaphore(%run_scoped3A_131 : memref<!tpu.dma_semaphore, #tpu.memory_space<semaphore_mem>>) src(%dma_wait3A_147 : memref<128xi32, #tpu.memory_space<hbm>>) dst(%dma_wait3A_146 : memref<128xi32, #tpu.memory_space<vmem>>)
      tpu.yield
    }) : () -> ()
    %mul3A_15 = arith.constant 640 : i32
    %mul3A_16 = arith.muli %add3A, %mul3A_15 : i32
    %add3A_17 = arith.constant 384 : i32
    %add3A_18 = arith.addi %mul3A_16, %add3A_17 : i32
    %run_scoped3A_19 = arith.constant 3 : i32
    "tpu.region"() ({
      %run_scoped3A_131 = tpu.sem_alloc : memref<!tpu.dma_semaphore, #tpu.memory_space<semaphore_mem>>
      %dma_start3A_132 = arith.constant 0 : i32
      %dma_start3A_133 = tpu.memref_slice %arg5[%run_scoped3A_19, %dma_start3A_132] : memref<5x128xi32, #tpu.memory_space<vmem>> -> memref<1x128xi32, #tpu.memory_space<vmem>>
      %dma_start3A_134 = tpu.memref_squeeze %dma_start3A_133 : memref<1x128xi32, #tpu.memory_space<vmem>> -> memref<128xi32, #tpu.memory_space<vmem>>
      %dma_start3A_135 = tpu.memref_slice %arg3[%add3A_18] : memref<20480xi32, #tpu.memory_space<hbm>> -> memref<128xi32, #tpu.memory_space<hbm>>
      %dma_start3A_136 = arith.constant 0 : i32
      %dma_start3A_137 = tpu.memref_slice %arg5[%run_scoped3A_19, %dma_start3A_136] : memref<5x128xi32, #tpu.memory_space<vmem>> -> memref<1x128xi32, #tpu.memory_space<vmem>>
      %dma_start3A_138 = tpu.memref_squeeze %dma_start3A_137 : memref<1x128xi32, #tpu.memory_space<vmem>> -> memref<128xi32, #tpu.memory_space<vmem>>
      %dma_start3A_139 = tpu.memref_slice %arg3[%add3A_18] : memref<20480xi32, #tpu.memory_space<hbm>> -> memref<128xi32, #tpu.memory_space<hbm>>
      tpu.enqueue_dma source(%dma_start3A_139 : memref<128xi32, #tpu.memory_space<hbm>>) target(%dma_start3A_138 : memref<128xi32, #tpu.memory_space<vmem>>) target_semaphore(%run_scoped3A_131 : memref<!tpu.dma_semaphore, #tpu.memory_space<semaphore_mem>>)
      %dma_wait3A_140 = arith.constant 0 : i32
      %dma_wait3A_141 = tpu.memref_slice %arg5[%run_scoped3A_19, %dma_wait3A_140] : memref<5x128xi32, #tpu.memory_space<vmem>> -> memref<1x128xi32, #tpu.memory_space<vmem>>
      %dma_wait3A_142 = tpu.memref_squeeze %dma_wait3A_141 : memref<1x128xi32, #tpu.memory_space<vmem>> -> memref<128xi32, #tpu.memory_space<vmem>>
      %dma_wait3A_143 = tpu.memref_slice %arg3[%add3A_18] : memref<20480xi32, #tpu.memory_space<hbm>> -> memref<128xi32, #tpu.memory_space<hbm>>
      %dma_wait3A_144 = arith.constant 0 : i32
      %dma_wait3A_145 = tpu.memref_slice %arg5[%run_scoped3A_19, %dma_wait3A_144] : memref<5x128xi32, #tpu.memory_space<vmem>> -> memref<1x128xi32, #tpu.memory_space<vmem>>
      %dma_wait3A_146 = tpu.memref_squeeze %dma_wait3A_145 : memref<1x128xi32, #tpu.memory_space<vmem>> -> memref<128xi32, #tpu.memory_space<vmem>>
      %dma_wait3A_147 = tpu.memref_slice %arg3[%add3A_18] : memref<20480xi32, #tpu.memory_space<hbm>> -> memref<128xi32, #tpu.memory_space<hbm>>
      tpu.wait_dma2 semaphore(%run_scoped3A_131 : memref<!tpu.dma_semaphore, #tpu.memory_space<semaphore_mem>>) src(%dma_wait3A_147 : memref<128xi32, #tpu.memory_space<hbm>>) dst(%dma_wait3A_146 : memref<128xi32, #tpu.memory_space<vmem>>)
      tpu.yield
    }) : () -> ()
    %mul3A_20 = arith.constant 640 : i32
    %mul3A_21 = arith.muli %add3A, %mul3A_20 : i32
    %add3A_22 = arith.constant 512 : i32
    %add3A_23 = arith.addi %mul3A_21, %add3A_22 : i32
    %run_scoped3A_24 = arith.constant 4 : i32
    "tpu.region"() ({
      %run_scoped3A_131 = tpu.sem_alloc : memref<!tpu.dma_semaphore, #tpu.memory_space<semaphore_mem>>
      %dma_start3A_132 = arith.constant 0 : i32
      %dma_start3A_133 = tpu.memref_slice %arg5[%run_scoped3A_24, %dma_start3A_132] : memref<5x128xi32, #tpu.memory_space<vmem>> -> memref<1x128xi32, #tpu.memory_space<vmem>>
      %dma_start3A_134 = tpu.memref_squeeze %dma_start3A_133 : memref<1x128xi32, #tpu.memory_space<vmem>> -> memref<128xi32, #tpu.memory_space<vmem>>
      %dma_start3A_135 = tpu.memref_slice %arg3[%add3A_23] : memref<20480xi32, #tpu.memory_space<hbm>> -> memref<128xi32, #tpu.memory_space<hbm>>
      %dma_start3A_136 = arith.constant 0 : i32
      %dma_start3A_137 = tpu.memref_slice %arg5[%run_scoped3A_24, %dma_start3A_136] : memref<5x128xi32, #tpu.memory_space<vmem>> -> memref<1x128xi32, #tpu.memory_space<vmem>>
      %dma_start3A_138 = tpu.memref_squeeze %dma_start3A_137 : memref<1x128xi32, #tpu.memory_space<vmem>> -> memref<128xi32, #tpu.memory_space<vmem>>
      %dma_start3A_139 = tpu.memref_slice %arg3[%add3A_23] : memref<20480xi32, #tpu.memory_space<hbm>> -> memref<128xi32, #tpu.memory_space<hbm>>
      tpu.enqueue_dma source(%dma_start3A_139 : memref<128xi32, #tpu.memory_space<hbm>>) target(%dma_start3A_138 : memref<128xi32, #tpu.memory_space<vmem>>) target_semaphore(%run_scoped3A_131 : memref<!tpu.dma_semaphore, #tpu.memory_space<semaphore_mem>>)
      %dma_wait3A_140 = arith.constant 0 : i32
      %dma_wait3A_141 = tpu.memref_slice %arg5[%run_scoped3A_24, %dma_wait3A_140] : memref<5x128xi32, #tpu.memory_space<vmem>> -> memref<1x128xi32, #tpu.memory_space<vmem>>
      %dma_wait3A_142 = tpu.memref_squeeze %dma_wait3A_141 : memref<1x128xi32, #tpu.memory_space<vmem>> -> memref<128xi32, #tpu.memory_space<vmem>>
      %dma_wait3A_143 = tpu.memref_slice %arg3[%add3A_23] : memref<20480xi32, #tpu.memory_space<hbm>> -> memref<128xi32, #tpu.memory_space<hbm>>
      %dma_wait3A_144 = arith.constant 0 : i32
      %dma_wait3A_145 = tpu.memref_slice %arg5[%run_scoped3A_24, %dma_wait3A_144] : memref<5x128xi32, #tpu.memory_space<vmem>> -> memref<1x128xi32, #tpu.memory_space<vmem>>
      %dma_wait3A_146 = tpu.memref_squeeze %dma_wait3A_145 : memref<1x128xi32, #tpu.memory_space<vmem>> -> memref<128xi32, #tpu.memory_space<vmem>>
      %dma_wait3A_147 = tpu.memref_slice %arg3[%add3A_23] : memref<20480xi32, #tpu.memory_space<hbm>> -> memref<128xi32, #tpu.memory_space<hbm>>
      tpu.wait_dma2 semaphore(%run_scoped3A_131 : memref<!tpu.dma_semaphore, #tpu.memory_space<semaphore_mem>>) src(%dma_wait3A_147 : memref<128xi32, #tpu.memory_space<hbm>>) dst(%dma_wait3A_146 : memref<128xi32, #tpu.memory_space<vmem>>)
      tpu.yield
    }) : () -> ()
    %dma_start3A = arith.constant 0 : i32
    %dma_start3A_25 = arith.constant 0 : i32
    %dma_start3A_26 = arith.constant 0 : i32
    %dma_start3A_27 = tpu.memref_slice %arg6[%dma_start3A_25, %dma_start3A_26] : memref<640x128xf32, #tpu.memory_space<vmem>> -> memref<128x128xf32, #tpu.memory_space<vmem>>
    %dma_start3A_28 = arith.constant 0 : i32
    %dma_start3A_29 = tpu.memref_slice %arg5[%dma_start3A, %dma_start3A_28] : memref<5x128xi32, #tpu.memory_space<vmem>> -> memref<1x128xi32, #tpu.memory_space<vmem>>
    %dma_start3A_30 = tpu.memref_squeeze %dma_start3A_29 : memref<1x128xi32, #tpu.memory_space<vmem>> -> memref<128xi32, #tpu.memory_space<vmem>>
    %dma_start3A_31 = arith.constant 0 : i32
    %dma_start3A_32 = arith.constant 0 : i32
    %dma_start3A_33 = tpu.memref_slice %arg2[%dma_start3A_31, %dma_start3A_32] : memref<20480x128xf32, #tpu.memory_space<hbm>> -> memref<20480x128xf32, #tpu.memory_space<hbm>>
    tpu.enqueue_indirect_dma source(%dma_start3A_33 : memref<20480x128xf32, #tpu.memory_space<hbm>>) target(%dma_start3A_27 : memref<128x128xf32, #tpu.memory_space<vmem>>) offsets(%dma_start3A_30 : memref<128xi32, #tpu.memory_space<vmem>>) semaphore(%arg8 : memref<!tpu.dma_semaphore, #tpu.memory_space<semaphore_mem>>)
    %dma_start3A_34 = arith.constant 1 : i32
    %dma_start3A_35 = arith.constant 128 : i32
    %dma_start3A_36 = arith.constant 0 : i32
    %dma_start3A_37 = tpu.memref_slice %arg6[%dma_start3A_35, %dma_start3A_36] : memref<640x128xf32, #tpu.memory_space<vmem>> -> memref<128x128xf32, #tpu.memory_space<vmem>>
    %dma_start3A_38 = arith.constant 0 : i32
    %dma_start3A_39 = tpu.memref_slice %arg5[%dma_start3A_34, %dma_start3A_38] : memref<5x128xi32, #tpu.memory_space<vmem>> -> memref<1x128xi32, #tpu.memory_space<vmem>>
    %dma_start3A_40 = tpu.memref_squeeze %dma_start3A_39 : memref<1x128xi32, #tpu.memory_space<vmem>> -> memref<128xi32, #tpu.memory_space<vmem>>
    %dma_start3A_41 = arith.constant 0 : i32
    %dma_start3A_42 = arith.constant 0 : i32
    %dma_start3A_43 = tpu.memref_slice %arg2[%dma_start3A_41, %dma_start3A_42] : memref<20480x128xf32, #tpu.memory_space<hbm>> -> memref<20480x128xf32, #tpu.memory_space<hbm>>
    tpu.enqueue_indirect_dma source(%dma_start3A_43 : memref<20480x128xf32, #tpu.memory_space<hbm>>) target(%dma_start3A_37 : memref<128x128xf32, #tpu.memory_space<vmem>>) offsets(%dma_start3A_40 : memref<128xi32, #tpu.memory_space<vmem>>) semaphore(%arg8 : memref<!tpu.dma_semaphore, #tpu.memory_space<semaphore_mem>>)
    %dma_start3A_44 = arith.constant 2 : i32
    %dma_start3A_45 = arith.constant 256 : i32
    %dma_start3A_46 = arith.constant 0 : i32
    %dma_start3A_47 = tpu.memref_slice %arg6[%dma_start3A_45, %dma_start3A_46] : memref<640x128xf32, #tpu.memory_space<vmem>> -> memref<128x128xf32, #tpu.memory_space<vmem>>
    %dma_start3A_48 = arith.constant 0 : i32
    %dma_start3A_49 = tpu.memref_slice %arg5[%dma_start3A_44, %dma_start3A_48] : memref<5x128xi32, #tpu.memory_space<vmem>> -> memref<1x128xi32, #tpu.memory_space<vmem>>
    %dma_start3A_50 = tpu.memref_squeeze %dma_start3A_49 : memref<1x128xi32, #tpu.memory_space<vmem>> -> memref<128xi32, #tpu.memory_space<vmem>>
    %dma_start3A_51 = arith.constant 0 : i32
    %dma_start3A_52 = arith.constant 0 : i32
    %dma_start3A_53 = tpu.memref_slice %arg2[%dma_start3A_51, %dma_start3A_52] : memref<20480x128xf32, #tpu.memory_space<hbm>> -> memref<20480x128xf32, #tpu.memory_space<hbm>>
    tpu.enqueue_indirect_dma source(%dma_start3A_53 : memref<20480x128xf32, #tpu.memory_space<hbm>>) target(%dma_start3A_47 : memref<128x128xf32, #tpu.memory_space<vmem>>) offsets(%dma_start3A_50 : memref<128xi32, #tpu.memory_space<vmem>>) semaphore(%arg8 : memref<!tpu.dma_semaphore, #tpu.memory_space<semaphore_mem>>)
    %dma_start3A_54 = arith.constant 3 : i32
    %dma_start3A_55 = arith.constant 384 : i32
    %dma_start3A_56 = arith.constant 0 : i32
    %dma_start3A_57 = tpu.memref_slice %arg6[%dma_start3A_55, %dma_start3A_56] : memref<640x128xf32, #tpu.memory_space<vmem>> -> memref<128x128xf32, #tpu.memory_space<vmem>>
    %dma_start3A_58 = arith.constant 0 : i32
    %dma_start3A_59 = tpu.memref_slice %arg5[%dma_start3A_54, %dma_start3A_58] : memref<5x128xi32, #tpu.memory_space<vmem>> -> memref<1x128xi32, #tpu.memory_space<vmem>>
    %dma_start3A_60 = tpu.memref_squeeze %dma_start3A_59 : memref<1x128xi32, #tpu.memory_space<vmem>> -> memref<128xi32, #tpu.memory_space<vmem>>
    %dma_start3A_61 = arith.constant 0 : i32
    %dma_start3A_62 = arith.constant 0 : i32
    %dma_start3A_63 = tpu.memref_slice %arg2[%dma_start3A_61, %dma_start3A_62] : memref<20480x128xf32, #tpu.memory_space<hbm>> -> memref<20480x128xf32, #tpu.memory_space<hbm>>
    tpu.enqueue_indirect_dma source(%dma_start3A_63 : memref<20480x128xf32, #tpu.memory_space<hbm>>) target(%dma_start3A_57 : memref<128x128xf32, #tpu.memory_space<vmem>>) offsets(%dma_start3A_60 : memref<128xi32, #tpu.memory_space<vmem>>) semaphore(%arg8 : memref<!tpu.dma_semaphore, #tpu.memory_space<semaphore_mem>>)
    %dma_start3A_64 = arith.constant 4 : i32
    %dma_start3A_65 = arith.constant 512 : i32
    %dma_start3A_66 = arith.constant 0 : i32
    %dma_start3A_67 = tpu.memref_slice %arg6[%dma_start3A_65, %dma_start3A_66] : memref<640x128xf32, #tpu.memory_space<vmem>> -> memref<128x128xf32, #tpu.memory_space<vmem>>
    %dma_start3A_68 = arith.constant 0 : i32
    %dma_start3A_69 = tpu.memref_slice %arg5[%dma_start3A_64, %dma_start3A_68] : memref<5x128xi32, #tpu.memory_space<vmem>> -> memref<1x128xi32, #tpu.memory_space<vmem>>
    %dma_start3A_70 = tpu.memref_squeeze %dma_start3A_69 : memref<1x128xi32, #tpu.memory_space<vmem>> -> memref<128xi32, #tpu.memory_space<vmem>>
    %dma_start3A_71 = arith.constant 0 : i32
    %dma_start3A_72 = arith.constant 0 : i32
    %dma_start3A_73 = tpu.memref_slice %arg2[%dma_start3A_71, %dma_start3A_72] : memref<20480x128xf32, #tpu.memory_space<hbm>> -> memref<20480x128xf32, #tpu.memory_space<hbm>>
    tpu.enqueue_indirect_dma source(%dma_start3A_73 : memref<20480x128xf32, #tpu.memory_space<hbm>>) target(%dma_start3A_67 : memref<128x128xf32, #tpu.memory_space<vmem>>) offsets(%dma_start3A_70 : memref<128xi32, #tpu.memory_space<vmem>>) semaphore(%arg8 : memref<!tpu.dma_semaphore, #tpu.memory_space<semaphore_mem>>)
    %dma_wait3A = arith.constant 0 : i32
    %dma_wait3A_74 = arith.constant 0 : i32
    %dma_wait3A_75 = arith.constant 0 : i32
    %dma_wait3A_76 = tpu.memref_slice %arg6[%dma_wait3A_74, %dma_wait3A_75] : memref<640x128xf32, #tpu.memory_space<vmem>> -> memref<128x128xf32, #tpu.memory_space<vmem>>
    %dma_wait3A_77 = arith.constant 0 : i32
    %dma_wait3A_78 = tpu.memref_slice %arg5[%dma_wait3A, %dma_wait3A_77] : memref<5x128xi32, #tpu.memory_space<vmem>> -> memref<1x128xi32, #tpu.memory_space<vmem>>
    %dma_wait3A_79 = tpu.memref_squeeze %dma_wait3A_78 : memref<1x128xi32, #tpu.memory_space<vmem>> -> memref<128xi32, #tpu.memory_space<vmem>>
    %dma_wait3A_80 = arith.constant 0 : i32
    %dma_wait3A_81 = arith.constant 0 : i32
    %dma_wait3A_82 = tpu.memref_slice %arg2[%dma_wait3A_80, %dma_wait3A_81] : memref<20480x128xf32, #tpu.memory_space<hbm>> -> memref<20480x128xf32, #tpu.memory_space<hbm>>
    tpu.wait_indirect_dma semaphore(%arg8 : memref<!tpu.dma_semaphore, #tpu.memory_space<semaphore_mem>>) src(%dma_wait3A_82 : memref<20480x128xf32, #tpu.memory_space<hbm>>) dst(%dma_wait3A_76 : memref<128x128xf32, #tpu.memory_space<vmem>>)
    %dma_wait3A_83 = arith.constant 1 : i32
    %dma_wait3A_84 = arith.constant 128 : i32
    %dma_wait3A_85 = arith.constant 0 : i32
    %dma_wait3A_86 = tpu.memref_slice %arg6[%dma_wait3A_84, %dma_wait3A_85] : memref<640x128xf32, #tpu.memory_space<vmem>> -> memref<128x128xf32, #tpu.memory_space<vmem>>
    %dma_wait3A_87 = arith.constant 0 : i32
    %dma_wait3A_88 = tpu.memref_slice %arg5[%dma_wait3A_83, %dma_wait3A_87] : memref<5x128xi32, #tpu.memory_space<vmem>> -> memref<1x128xi32, #tpu.memory_space<vmem>>
    %dma_wait3A_89 = tpu.memref_squeeze %dma_wait3A_88 : memref<1x128xi32, #tpu.memory_space<vmem>> -> memref<128xi32, #tpu.memory_space<vmem>>
    %dma_wait3A_90 = arith.constant 0 : i32
    %dma_wait3A_91 = arith.constant 0 : i32
    %dma_wait3A_92 = tpu.memref_slice %arg2[%dma_wait3A_90, %dma_wait3A_91] : memref<20480x128xf32, #tpu.memory_space<hbm>> -> memref<20480x128xf32, #tpu.memory_space<hbm>>
    tpu.wait_indirect_dma semaphore(%arg8 : memref<!tpu.dma_semaphore, #tpu.memory_space<semaphore_mem>>) src(%dma_wait3A_92 : memref<20480x128xf32, #tpu.memory_space<hbm>>) dst(%dma_wait3A_86 : memref<128x128xf32, #tpu.memory_space<vmem>>)
    %dma_wait3A_93 = arith.constant 2 : i32
    %dma_wait3A_94 = arith.constant 256 : i32
    %dma_wait3A_95 = arith.constant 0 : i32
    %dma_wait3A_96 = tpu.memref_slice %arg6[%dma_wait3A_94, %dma_wait3A_95] : memref<640x128xf32, #tpu.memory_space<vmem>> -> memref<128x128xf32, #tpu.memory_space<vmem>>
    %dma_wait3A_97 = arith.constant 0 : i32
    %dma_wait3A_98 = tpu.memref_slice %arg5[%dma_wait3A_93, %dma_wait3A_97] : memref<5x128xi32, #tpu.memory_space<vmem>> -> memref<1x128xi32, #tpu.memory_space<vmem>>
    %dma_wait3A_99 = tpu.memref_squeeze %dma_wait3A_98 : memref<1x128xi32, #tpu.memory_space<vmem>> -> memref<128xi32, #tpu.memory_space<vmem>>
    %dma_wait3A_100 = arith.constant 0 : i32
    %dma_wait3A_101 = arith.constant 0 : i32
    %dma_wait3A_102 = tpu.memref_slice %arg2[%dma_wait3A_100, %dma_wait3A_101] : memref<20480x128xf32, #tpu.memory_space<hbm>> -> memref<20480x128xf32, #tpu.memory_space<hbm>>
    tpu.wait_indirect_dma semaphore(%arg8 : memref<!tpu.dma_semaphore, #tpu.memory_space<semaphore_mem>>) src(%dma_wait3A_102 : memref<20480x128xf32, #tpu.memory_space<hbm>>) dst(%dma_wait3A_96 : memref<128x128xf32, #tpu.memory_space<vmem>>)
    %dma_wait3A_103 = arith.constant 3 : i32
    %dma_wait3A_104 = arith.constant 384 : i32
    %dma_wait3A_105 = arith.constant 0 : i32
    %dma_wait3A_106 = tpu.memref_slice %arg6[%dma_wait3A_104, %dma_wait3A_105] : memref<640x128xf32, #tpu.memory_space<vmem>> -> memref<128x128xf32, #tpu.memory_space<vmem>>
    %dma_wait3A_107 = arith.constant 0 : i32
    %dma_wait3A_108 = tpu.memref_slice %arg5[%dma_wait3A_103, %dma_wait3A_107] : memref<5x128xi32, #tpu.memory_space<vmem>> -> memref<1x128xi32, #tpu.memory_space<vmem>>
    %dma_wait3A_109 = tpu.memref_squeeze %dma_wait3A_108 : memref<1x128xi32, #tpu.memory_space<vmem>> -> memref<128xi32, #tpu.memory_space<vmem>>
    %dma_wait3A_110 = arith.constant 0 : i32
    %dma_wait3A_111 = arith.constant 0 : i32
    %dma_wait3A_112 = tpu.memref_slice %arg2[%dma_wait3A_110, %dma_wait3A_111] : memref<20480x128xf32, #tpu.memory_space<hbm>> -> memref<20480x128xf32, #tpu.memory_space<hbm>>
    tpu.wait_indirect_dma semaphore(%arg8 : memref<!tpu.dma_semaphore, #tpu.memory_space<semaphore_mem>>) src(%dma_wait3A_112 : memref<20480x128xf32, #tpu.memory_space<hbm>>) dst(%dma_wait3A_106 : memref<128x128xf32, #tpu.memory_space<vmem>>)
    %dma_wait3A_113 = arith.constant 4 : i32
    %dma_wait3A_114 = arith.constant 512 : i32
    %dma_wait3A_115 = arith.constant 0 : i32
    %dma_wait3A_116 = tpu.memref_slice %arg6[%dma_wait3A_114, %dma_wait3A_115] : memref<640x128xf32, #tpu.memory_space<vmem>> -> memref<128x128xf32, #tpu.memory_space<vmem>>
    %dma_wait3A_117 = arith.constant 0 : i32
    %dma_wait3A_118 = tpu.memref_slice %arg5[%dma_wait3A_113, %dma_wait3A_117] : memref<5x128xi32, #tpu.memory_space<vmem>> -> memref<1x128xi32, #tpu.memory_space<vmem>>
    %dma_wait3A_119 = tpu.memref_squeeze %dma_wait3A_118 : memref<1x128xi32, #tpu.memory_space<vmem>> -> memref<128xi32, #tpu.memory_space<vmem>>
    %dma_wait3A_120 = arith.constant 0 : i32
    %dma_wait3A_121 = arith.constant 0 : i32
    %dma_wait3A_122 = tpu.memref_slice %arg2[%dma_wait3A_120, %dma_wait3A_121] : memref<20480x128xf32, #tpu.memory_space<hbm>> -> memref<20480x128xf32, #tpu.memory_space<hbm>>
    tpu.wait_indirect_dma semaphore(%arg8 : memref<!tpu.dma_semaphore, #tpu.memory_space<semaphore_mem>>) src(%dma_wait3A_122 : memref<20480x128xf32, #tpu.memory_space<hbm>>) dst(%dma_wait3A_116 : memref<128x128xf32, #tpu.memory_space<vmem>>)
    %scan3A = arith.constant 0 : i32
    %scan3A_123 = arith.constant 0 : i32
    %scan3A_124 = arith.constant 32 : i32
    %scan3A_125 = arith.addi %scan3A_123, %scan3A_124 : i32
    %scan3A_126 = arith.constant 1 : i32
    %scan3A_127 = scf.for %scan3A_131 = %scan3A_123 to %scan3A_125 step %scan3A_126 iter_args(%scan3A_132 = %scan3A) -> (i32)  : i32 {
      %broadcast_in_dim3A = arith.constant 0.000000e+00 : f32
      %broadcast_in_dim3A_133 = vector.broadcast %broadcast_in_dim3A : f32 to vector<16xf32>
      %broadcast_in_dim3A_134 = arith.constant 0.000000e+00 : f32
      %broadcast_in_dim3A_135 = vector.broadcast %broadcast_in_dim3A_134 : f32 to vector<16xf32>
      %mul3A_136 = arith.constant 20 : i32
      %mul3A_137 = arith.muli %scan3A_131, %mul3A_136 : i32
      %add3A_138 = arith.constant 0 : i32
      %add3A_139 = arith.addi %mul3A_137, %add3A_138 : i32
      %get3A = arith.index_cast %add3A_139 : i32 to index
      %get3A_140 = arith.constant 0 : index
      %get3A_141 = tpu.vector_load %arg6[%get3A, %get3A_140] {strides = array<i32>} : memref<640x128xf32, #tpu.memory_space<vmem>>, vector<1x16xf32>,
      %get3A_142 = vector.shape_cast %get3A_141 : vector<1x16xf32> to vector<16xf32>
      %add3A_143 = arith.addf %broadcast_in_dim3A_133, %get3A_142 : vector<16xf32>
      %mul3A_144 = arith.constant 20 : i32
      %mul3A_145 = arith.muli %scan3A_131, %mul3A_144 : i32
      %add3A_146 = arith.constant 0 : i32
      %add3A_147 = arith.addi %mul3A_145, %add3A_146 : i32
      %get3A_148 = arith.index_cast %add3A_147 : i32 to index
      %get3A_149 = arith.constant 16 : index
      %get3A_150 = tpu.vector_load %arg6[%get3A_148, %get3A_149] {strides = array<i32>} : memref<640x128xf32, #tpu.memory_space<vmem>>, vector<1x16xf32>,
      %get3A_151 = vector.shape_cast %get3A_150 : vector<1x16xf32> to vector<16xf32>
      %add3A_152 = arith.addf %broadcast_in_dim3A_135, %get3A_151 : vector<16xf32>
      %mul3A_153 = arith.constant 20 : i32
      %mul3A_154 = arith.muli %scan3A_131, %mul3A_153 : i32
      %add3A_155 = arith.constant 1 : i32
      %add3A_156 = arith.addi %mul3A_154, %add3A_155 : i32
      %get3A_157 = arith.index_cast %add3A_156 : i32 to index
      %get3A_158 = arith.constant 0 : index
      %get3A_159 = tpu.vector_load %arg6[%get3A_157, %get3A_158] {strides = array<i32>} : memref<640x128xf32, #tpu.memory_space<vmem>>, vector<1x16xf32>,
      %get3A_160 = vector.shape_cast %get3A_159 : vector<1x16xf32> to vector<16xf32>
      %add3A_161 = arith.addf %add3A_143, %get3A_160 : vector<16xf32>
      %mul3A_162 = arith.constant 20 : i32
      %mul3A_163 = arith.muli %scan3A_131, %mul3A_162 : i32
      %add3A_164 = arith.constant 1 : i32
      %add3A_165 = arith.addi %mul3A_163, %add3A_164 : i32
      %get3A_166 = arith.index_cast %add3A_165 : i32 to index
      %get3A_167 = arith.constant 16 : index
      %get3A_168 = tpu.vector_load %arg6[%get3A_166, %get3A_167] {strides = array<i32>} : memref<640x128xf32, #tpu.memory_space<vmem>>, vector<1x16xf32>,
      %get3A_169 = vector.shape_cast %get3A_168 : vector<1x16xf32> to vector<16xf32>
      %add3A_170 = arith.addf %add3A_152, %get3A_169 : vector<16xf32>
      %mul3A_171 = arith.constant 20 : i32
      %mul3A_172 = arith.muli %scan3A_131, %mul3A_171 : i32
      %add3A_173 = arith.constant 2 : i32
      %add3A_174 = arith.addi %mul3A_172, %add3A_173 : i32
      %get3A_175 = arith.index_cast %add3A_174 : i32 to index
      %get3A_176 = arith.constant 0 : index
      %get3A_177 = tpu.vector_load %arg6[%get3A_175, %get3A_176] {strides = array<i32>} : memref<640x128xf32, #tpu.memory_space<vmem>>, vector<1x16xf32>,
      %get3A_178 = vector.shape_cast %get3A_177 : vector<1x16xf32> to vector<16xf32>
      %add3A_179 = arith.addf %add3A_161, %get3A_178 : vector<16xf32>
      %mul3A_180 = arith.constant 20 : i32
      %mul3A_181 = arith.muli %scan3A_131, %mul3A_180 : i32
      %add3A_182 = arith.constant 2 : i32
      %add3A_183 = arith.addi %mul3A_181, %add3A_182 : i32
      %get3A_184 = arith.index_cast %add3A_183 : i32 to index
      %get3A_185 = arith.constant 16 : index
      %get3A_186 = tpu.vector_load %arg6[%get3A_184, %get3A_185] {strides = array<i32>} : memref<640x128xf32, #tpu.memory_space<vmem>>, vector<1x16xf32>,
      %get3A_187 = vector.shape_cast %get3A_186 : vector<1x16xf32> to vector<16xf32>
      %add3A_188 = arith.addf %add3A_170, %get3A_187 : vector<16xf32>
      %mul3A_189 = arith.constant 20 : i32
      %mul3A_190 = arith.muli %scan3A_131, %mul3A_189 : i32
      %add3A_191 = arith.constant 3 : i32
      %add3A_192 = arith.addi %mul3A_190, %add3A_191 : i32
      %get3A_193 = arith.index_cast %add3A_192 : i32 to index
      %get3A_194 = arith.constant 0 : index
      %get3A_195 = tpu.vector_load %arg6[%get3A_193, %get3A_194] {strides = array<i32>} : memref<640x128xf32, #tpu.memory_space<vmem>>, vector<1x16xf32>,
      %get3A_196 = vector.shape_cast %get3A_195 : vector<1x16xf32> to vector<16xf32>
      %add3A_197 = arith.addf %add3A_179, %get3A_196 : vector<16xf32>
      %mul3A_198 = arith.constant 20 : i32
      %mul3A_199 = arith.muli %scan3A_131, %mul3A_198 : i32
      %add3A_200 = arith.constant 3 : i32
      %add3A_201 = arith.addi %mul3A_199, %add3A_200 : i32
      %get3A_202 = arith.index_cast %add3A_201 : i32 to index
      %get3A_203 = arith.constant 16 : index
      %get3A_204 = tpu.vector_load %arg6[%get3A_202, %get3A_203] {strides = array<i32>} : memref<640x128xf32, #tpu.memory_space<vmem>>, vector<1x16xf32>,
      %get3A_205 = vector.shape_cast %get3A_204 : vector<1x16xf32> to vector<16xf32>
      %add3A_206 = arith.addf %add3A_188, %get3A_205 : vector<16xf32>
      %mul3A_207 = arith.constant 20 : i32
      %mul3A_208 = arith.muli %scan3A_131, %mul3A_207 : i32
      %add3A_209 = arith.constant 4 : i32
      %add3A_210 = arith.addi %mul3A_208, %add3A_209 : i32
      %get3A_211 = arith.index_cast %add3A_210 : i32 to index
      %get3A_212 = arith.constant 0 : index
      %get3A_213 = tpu.vector_load %arg6[%get3A_211, %get3A_212] {strides = array<i32>} : memref<640x128xf32, #tpu.memory_space<vmem>>, vector<1x16xf32>,
      %get3A_214 = vector.shape_cast %get3A_213 : vector<1x16xf32> to vector<16xf32>
      %add3A_215 = arith.addf %add3A_197, %get3A_214 : vector<16xf32>
      %mul3A_216 = arith.constant 20 : i32
      %mul3A_217 = arith.muli %scan3A_131, %mul3A_216 : i32
      %add3A_218 = arith.constant 4 : i32
      %add3A_219 = arith.addi %mul3A_217, %add3A_218 : i32
      %get3A_220 = arith.index_cast %add3A_219 : i32 to index
      %get3A_221 = arith.constant 16 : index
      %get3A_222 = tpu.vector_load %arg6[%get3A_220, %get3A_221] {strides = array<i32>} : memref<640x128xf32, #tpu.memory_space<vmem>>, vector<1x16xf32>,
      %get3A_223 = vector.shape_cast %get3A_222 : vector<1x16xf32> to vector<16xf32>
      %add3A_224 = arith.addf %add3A_206, %get3A_223 : vector<16xf32>
      %mul3A_225 = arith.constant 20 : i32
      %mul3A_226 = arith.muli %scan3A_131, %mul3A_225 : i32
      %add3A_227 = arith.constant 5 : i32
      %add3A_228 = arith.addi %mul3A_226, %add3A_227 : i32
      %get3A_229 = arith.index_cast %add3A_228 : i32 to index
      %get3A_230 = arith.constant 0 : index
      %get3A_231 = tpu.vector_load %arg6[%get3A_229, %get3A_230] {strides = array<i32>} : memref<640x128xf32, #tpu.memory_space<vmem>>, vector<1x16xf32>,
      %get3A_232 = vector.shape_cast %get3A_231 : vector<1x16xf32> to vector<16xf32>
      %add3A_233 = arith.addf %add3A_215, %get3A_232 : vector<16xf32>
      %mul3A_234 = arith.constant 20 : i32
      %mul3A_235 = arith.muli %scan3A_131, %mul3A_234 : i32
      %add3A_236 = arith.constant 5 : i32
      %add3A_237 = arith.addi %mul3A_235, %add3A_236 : i32
      %get3A_238 = arith.index_cast %add3A_237 : i32 to index
      %get3A_239 = arith.constant 16 : index
      %get3A_240 = tpu.vector_load %arg6[%get3A_238, %get3A_239] {strides = array<i32>} : memref<640x128xf32, #tpu.memory_space<vmem>>, vector<1x16xf32>,
      %get3A_241 = vector.shape_cast %get3A_240 : vector<1x16xf32> to vector<16xf32>
      %add3A_242 = arith.addf %add3A_224, %get3A_241 : vector<16xf32>
      %mul3A_243 = arith.constant 20 : i32
      %mul3A_244 = arith.muli %scan3A_131, %mul3A_243 : i32
      %add3A_245 = arith.constant 6 : i32
      %add3A_246 = arith.addi %mul3A_244, %add3A_245 : i32
      %get3A_247 = arith.index_cast %add3A_246 : i32 to index
      %get3A_248 = arith.constant 0 : index
      %get3A_249 = tpu.vector_load %arg6[%get3A_247, %get3A_248] {strides = array<i32>} : memref<640x128xf32, #tpu.memory_space<vmem>>, vector<1x16xf32>,
      %get3A_250 = vector.shape_cast %get3A_249 : vector<1x16xf32> to vector<16xf32>
      %add3A_251 = arith.addf %add3A_233, %get3A_250 : vector<16xf32>
      %mul3A_252 = arith.constant 20 : i32
      %mul3A_253 = arith.muli %scan3A_131, %mul3A_252 : i32
      %add3A_254 = arith.constant 6 : i32
      %add3A_255 = arith.addi %mul3A_253, %add3A_254 : i32
      %get3A_256 = arith.index_cast %add3A_255 : i32 to index
      %get3A_257 = arith.constant 16 : index
      %get3A_258 = tpu.vector_load %arg6[%get3A_256, %get3A_257] {strides = array<i32>} : memref<640x128xf32, #tpu.memory_space<vmem>>, vector<1x16xf32>,
      %get3A_259 = vector.shape_cast %get3A_258 : vector<1x16xf32> to vector<16xf32>
      %add3A_260 = arith.addf %add3A_242, %get3A_259 : vector<16xf32>
      %mul3A_261 = arith.constant 20 : i32
      %mul3A_262 = arith.muli %scan3A_131, %mul3A_261 : i32
      %add3A_263 = arith.constant 7 : i32
      %add3A_264 = arith.addi %mul3A_262, %add3A_263 : i32
      %get3A_265 = arith.index_cast %add3A_264 : i32 to index
      %get3A_266 = arith.constant 0 : index
      %get3A_267 = tpu.vector_load %arg6[%get3A_265, %get3A_266] {strides = array<i32>} : memref<640x128xf32, #tpu.memory_space<vmem>>, vector<1x16xf32>,
      %get3A_268 = vector.shape_cast %get3A_267 : vector<1x16xf32> to vector<16xf32>
      %add3A_269 = arith.addf %add3A_251, %get3A_268 : vector<16xf32>
      %mul3A_270 = arith.constant 20 : i32
      %mul3A_271 = arith.muli %scan3A_131, %mul3A_270 : i32
      %add3A_272 = arith.constant 7 : i32
      %add3A_273 = arith.addi %mul3A_271, %add3A_272 : i32
      %get3A_274 = arith.index_cast %add3A_273 : i32 to index
      %get3A_275 = arith.constant 16 : index
      %get3A_276 = tpu.vector_load %arg6[%get3A_274, %get3A_275] {strides = array<i32>} : memref<640x128xf32, #tpu.memory_space<vmem>>, vector<1x16xf32>,
      %get3A_277 = vector.shape_cast %get3A_276 : vector<1x16xf32> to vector<16xf32>
      %add3A_278 = arith.addf %add3A_260, %get3A_277 : vector<16xf32>
      %mul3A_279 = arith.constant 20 : i32
      %mul3A_280 = arith.muli %scan3A_131, %mul3A_279 : i32
      %add3A_281 = arith.constant 8 : i32
      %add3A_282 = arith.addi %mul3A_280, %add3A_281 : i32
      %get3A_283 = arith.index_cast %add3A_282 : i32 to index
      %get3A_284 = arith.constant 0 : index
      %get3A_285 = tpu.vector_load %arg6[%get3A_283, %get3A_284] {strides = array<i32>} : memref<640x128xf32, #tpu.memory_space<vmem>>, vector<1x16xf32>,
      %get3A_286 = vector.shape_cast %get3A_285 : vector<1x16xf32> to vector<16xf32>
      %add3A_287 = arith.addf %add3A_269, %get3A_286 : vector<16xf32>
      %mul3A_288 = arith.constant 20 : i32
      %mul3A_289 = arith.muli %scan3A_131, %mul3A_288 : i32
      %add3A_290 = arith.constant 8 : i32
      %add3A_291 = arith.addi %mul3A_289, %add3A_290 : i32
      %get3A_292 = arith.index_cast %add3A_291 : i32 to index
      %get3A_293 = arith.constant 16 : index
      %get3A_294 = tpu.vector_load %arg6[%get3A_292, %get3A_293] {strides = array<i32>} : memref<640x128xf32, #tpu.memory_space<vmem>>, vector<1x16xf32>,
      %get3A_295 = vector.shape_cast %get3A_294 : vector<1x16xf32> to vector<16xf32>
      %add3A_296 = arith.addf %add3A_278, %get3A_295 : vector<16xf32>
      %mul3A_297 = arith.constant 20 : i32
      %mul3A_298 = arith.muli %scan3A_131, %mul3A_297 : i32
      %add3A_299 = arith.constant 9 : i32
      %add3A_300 = arith.addi %mul3A_298, %add3A_299 : i32
      %get3A_301 = arith.index_cast %add3A_300 : i32 to index
      %get3A_302 = arith.constant 0 : index
      %get3A_303 = tpu.vector_load %arg6[%get3A_301, %get3A_302] {strides = array<i32>} : memref<640x128xf32, #tpu.memory_space<vmem>>, vector<1x16xf32>,
      %get3A_304 = vector.shape_cast %get3A_303 : vector<1x16xf32> to vector<16xf32>
      %add3A_305 = arith.addf %add3A_287, %get3A_304 : vector<16xf32>
      %mul3A_306 = arith.constant 20 : i32
      %mul3A_307 = arith.muli %scan3A_131, %mul3A_306 : i32
      %add3A_308 = arith.constant 9 : i32
      %add3A_309 = arith.addi %mul3A_307, %add3A_308 : i32
      %get3A_310 = arith.index_cast %add3A_309 : i32 to index
      %get3A_311 = arith.constant 16 : index
      %get3A_312 = tpu.vector_load %arg6[%get3A_310, %get3A_311] {strides = array<i32>} : memref<640x128xf32, #tpu.memory_space<vmem>>, vector<1x16xf32>,
      %get3A_313 = vector.shape_cast %get3A_312 : vector<1x16xf32> to vector<16xf32>
      %add3A_314 = arith.addf %add3A_296, %get3A_313 : vector<16xf32>
      %mul3A_315 = arith.constant 20 : i32
      %mul3A_316 = arith.muli %scan3A_131, %mul3A_315 : i32
      %add3A_317 = arith.constant 10 : i32
      %add3A_318 = arith.addi %mul3A_316, %add3A_317 : i32
      %get3A_319 = arith.index_cast %add3A_318 : i32 to index
      %get3A_320 = arith.constant 0 : index
      %get3A_321 = tpu.vector_load %arg6[%get3A_319, %get3A_320] {strides = array<i32>} : memref<640x128xf32, #tpu.memory_space<vmem>>, vector<1x16xf32>,
      %get3A_322 = vector.shape_cast %get3A_321 : vector<1x16xf32> to vector<16xf32>
      %add3A_323 = arith.addf %add3A_305, %get3A_322 : vector<16xf32>
      %mul3A_324 = arith.constant 20 : i32
      %mul3A_325 = arith.muli %scan3A_131, %mul3A_324 : i32
      %add3A_326 = arith.constant 10 : i32
      %add3A_327 = arith.addi %mul3A_325, %add3A_326 : i32
      %get3A_328 = arith.index_cast %add3A_327 : i32 to index
      %get3A_329 = arith.constant 16 : index
      %get3A_330 = tpu.vector_load %arg6[%get3A_328, %get3A_329] {strides = array<i32>} : memref<640x128xf32, #tpu.memory_space<vmem>>, vector<1x16xf32>,
      %get3A_331 = vector.shape_cast %get3A_330 : vector<1x16xf32> to vector<16xf32>
      %add3A_332 = arith.addf %add3A_314, %get3A_331 : vector<16xf32>
      %mul3A_333 = arith.constant 20 : i32
      %mul3A_334 = arith.muli %scan3A_131, %mul3A_333 : i32
      %add3A_335 = arith.constant 11 : i32
      %add3A_336 = arith.addi %mul3A_334, %add3A_335 : i32
      %get3A_337 = arith.index_cast %add3A_336 : i32 to index
      %get3A_338 = arith.constant 0 : index
      %get3A_339 = tpu.vector_load %arg6[%get3A_337, %get3A_338] {strides = array<i32>} : memref<640x128xf32, #tpu.memory_space<vmem>>, vector<1x16xf32>,
      %get3A_340 = vector.shape_cast %get3A_339 : vector<1x16xf32> to vector<16xf32>
      %add3A_341 = arith.addf %add3A_323, %get3A_340 : vector<16xf32>
      %mul3A_342 = arith.constant 20 : i32
      %mul3A_343 = arith.muli %scan3A_131, %mul3A_342 : i32
      %add3A_344 = arith.constant 11 : i32
      %add3A_345 = arith.addi %mul3A_343, %add3A_344 : i32
      %get3A_346 = arith.index_cast %add3A_345 : i32 to index
      %get3A_347 = arith.constant 16 : index
      %get3A_348 = tpu.vector_load %arg6[%get3A_346, %get3A_347] {strides = array<i32>} : memref<640x128xf32, #tpu.memory_space<vmem>>, vector<1x16xf32>,
      %get3A_349 = vector.shape_cast %get3A_348 : vector<1x16xf32> to vector<16xf32>
      %add3A_350 = arith.addf %add3A_332, %get3A_349 : vector<16xf32>
      %mul3A_351 = arith.constant 20 : i32
      %mul3A_352 = arith.muli %scan3A_131, %mul3A_351 : i32
      %add3A_353 = arith.constant 12 : i32
      %add3A_354 = arith.addi %mul3A_352, %add3A_353 : i32
      %get3A_355 = arith.index_cast %add3A_354 : i32 to index
      %get3A_356 = arith.constant 0 : index
      %get3A_357 = tpu.vector_load %arg6[%get3A_355, %get3A_356] {strides = array<i32>} : memref<640x128xf32, #tpu.memory_space<vmem>>, vector<1x16xf32>,
      %get3A_358 = vector.shape_cast %get3A_357 : vector<1x16xf32> to vector<16xf32>
      %add3A_359 = arith.addf %add3A_341, %get3A_358 : vector<16xf32>
      %mul3A_360 = arith.constant 20 : i32
      %mul3A_361 = arith.muli %scan3A_131, %mul3A_360 : i32
      %add3A_362 = arith.constant 12 : i32
      %add3A_363 = arith.addi %mul3A_361, %add3A_362 : i32
      %get3A_364 = arith.index_cast %add3A_363 : i32 to index
      %get3A_365 = arith.constant 16 : index
      %get3A_366 = tpu.vector_load %arg6[%get3A_364, %get3A_365] {strides = array<i32>} : memref<640x128xf32, #tpu.memory_space<vmem>>, vector<1x16xf32>,
      %get3A_367 = vector.shape_cast %get3A_366 : vector<1x16xf32> to vector<16xf32>
      %add3A_368 = arith.addf %add3A_350, %get3A_367 : vector<16xf32>
      %mul3A_369 = arith.constant 20 : i32
      %mul3A_370 = arith.muli %scan3A_131, %mul3A_369 : i32
      %add3A_371 = arith.constant 13 : i32
      %add3A_372 = arith.addi %mul3A_370, %add3A_371 : i32
      %get3A_373 = arith.index_cast %add3A_372 : i32 to index
      %get3A_374 = arith.constant 0 : index
      %get3A_375 = tpu.vector_load %arg6[%get3A_373, %get3A_374] {strides = array<i32>} : memref<640x128xf32, #tpu.memory_space<vmem>>, vector<1x16xf32>,
      %get3A_376 = vector.shape_cast %get3A_375 : vector<1x16xf32> to vector<16xf32>
      %add3A_377 = arith.addf %add3A_359, %get3A_376 : vector<16xf32>
      %mul3A_378 = arith.constant 20 : i32
      %mul3A_379 = arith.muli %scan3A_131, %mul3A_378 : i32
      %add3A_380 = arith.constant 13 : i32
      %add3A_381 = arith.addi %mul3A_379, %add3A_380 : i32
      %get3A_382 = arith.index_cast %add3A_381 : i32 to index
      %get3A_383 = arith.constant 16 : index
      %get3A_384 = tpu.vector_load %arg6[%get3A_382, %get3A_383] {strides = array<i32>} : memref<640x128xf32, #tpu.memory_space<vmem>>, vector<1x16xf32>,
      %get3A_385 = vector.shape_cast %get3A_384 : vector<1x16xf32> to vector<16xf32>
      %add3A_386 = arith.addf %add3A_368, %get3A_385 : vector<16xf32>
      %mul3A_387 = arith.constant 20 : i32
      %mul3A_388 = arith.muli %scan3A_131, %mul3A_387 : i32
      %add3A_389 = arith.constant 14 : i32
      %add3A_390 = arith.addi %mul3A_388, %add3A_389 : i32
      %get3A_391 = arith.index_cast %add3A_390 : i32 to index
      %get3A_392 = arith.constant 0 : index
      %get3A_393 = tpu.vector_load %arg6[%get3A_391, %get3A_392] {strides = array<i32>} : memref<640x128xf32, #tpu.memory_space<vmem>>, vector<1x16xf32>,
      %get3A_394 = vector.shape_cast %get3A_393 : vector<1x16xf32> to vector<16xf32>
      %add3A_395 = arith.addf %add3A_377, %get3A_394 : vector<16xf32>
      %mul3A_396 = arith.constant 20 : i32
      %mul3A_397 = arith.muli %scan3A_131, %mul3A_396 : i32
      %add3A_398 = arith.constant 14 : i32
      %add3A_399 = arith.addi %mul3A_397, %add3A_398 : i32
      %get3A_400 = arith.index_cast %add3A_399 : i32 to index
      %get3A_401 = arith.constant 16 : index
      %get3A_402 = tpu.vector_load %arg6[%get3A_400, %get3A_401] {strides = array<i32>} : memref<640x128xf32, #tpu.memory_space<vmem>>, vector<1x16xf32>,
      %get3A_403 = vector.shape_cast %get3A_402 : vector<1x16xf32> to vector<16xf32>
      %add3A_404 = arith.addf %add3A_386, %get3A_403 : vector<16xf32>
      %mul3A_405 = arith.constant 20 : i32
      %mul3A_406 = arith.muli %scan3A_131, %mul3A_405 : i32
      %add3A_407 = arith.constant 15 : i32
      %add3A_408 = arith.addi %mul3A_406, %add3A_407 : i32
      %get3A_409 = arith.index_cast %add3A_408 : i32 to index
      %get3A_410 = arith.constant 0 : index
      %get3A_411 = tpu.vector_load %arg6[%get3A_409, %get3A_410] {strides = array<i32>} : memref<640x128xf32, #tpu.memory_space<vmem>>, vector<1x16xf32>,
      %get3A_412 = vector.shape_cast %get3A_411 : vector<1x16xf32> to vector<16xf32>
      %add3A_413 = arith.addf %add3A_395, %get3A_412 : vector<16xf32>
      %mul3A_414 = arith.constant 20 : i32
      %mul3A_415 = arith.muli %scan3A_131, %mul3A_414 : i32
      %add3A_416 = arith.constant 15 : i32
      %add3A_417 = arith.addi %mul3A_415, %add3A_416 : i32
      %get3A_418 = arith.index_cast %add3A_417 : i32 to index
      %get3A_419 = arith.constant 16 : index
      %get3A_420 = tpu.vector_load %arg6[%get3A_418, %get3A_419] {strides = array<i32>} : memref<640x128xf32, #tpu.memory_space<vmem>>, vector<1x16xf32>,
      %get3A_421 = vector.shape_cast %get3A_420 : vector<1x16xf32> to vector<16xf32>
      %add3A_422 = arith.addf %add3A_404, %get3A_421 : vector<16xf32>
      %mul3A_423 = arith.constant 20 : i32
      %mul3A_424 = arith.muli %scan3A_131, %mul3A_423 : i32
      %add3A_425 = arith.constant 16 : i32
      %add3A_426 = arith.addi %mul3A_424, %add3A_425 : i32
      %get3A_427 = arith.index_cast %add3A_426 : i32 to index
      %get3A_428 = arith.constant 0 : index
      %get3A_429 = tpu.vector_load %arg6[%get3A_427, %get3A_428] {strides = array<i32>} : memref<640x128xf32, #tpu.memory_space<vmem>>, vector<1x16xf32>,
      %get3A_430 = vector.shape_cast %get3A_429 : vector<1x16xf32> to vector<16xf32>
      %add3A_431 = arith.addf %add3A_413, %get3A_430 : vector<16xf32>
      %mul3A_432 = arith.constant 20 : i32
      %mul3A_433 = arith.muli %scan3A_131, %mul3A_432 : i32
      %add3A_434 = arith.constant 16 : i32
      %add3A_435 = arith.addi %mul3A_433, %add3A_434 : i32
      %get3A_436 = arith.index_cast %add3A_435 : i32 to index
      %get3A_437 = arith.constant 16 : index
      %get3A_438 = tpu.vector_load %arg6[%get3A_436, %get3A_437] {strides = array<i32>} : memref<640x128xf32, #tpu.memory_space<vmem>>, vector<1x16xf32>,
      %get3A_439 = vector.shape_cast %get3A_438 : vector<1x16xf32> to vector<16xf32>
      %add3A_440 = arith.addf %add3A_422, %get3A_439 : vector<16xf32>
      %mul3A_441 = arith.constant 20 : i32
      %mul3A_442 = arith.muli %scan3A_131, %mul3A_441 : i32
      %add3A_443 = arith.constant 17 : i32
      %add3A_444 = arith.addi %mul3A_442, %add3A_443 : i32
      %get3A_445 = arith.index_cast %add3A_444 : i32 to index
      %get3A_446 = arith.constant 0 : index
      %get3A_447 = tpu.vector_load %arg6[%get3A_445, %get3A_446] {strides = array<i32>} : memref<640x128xf32, #tpu.memory_space<vmem>>, vector<1x16xf32>,
      %get3A_448 = vector.shape_cast %get3A_447 : vector<1x16xf32> to vector<16xf32>
      %add3A_449 = arith.addf %add3A_431, %get3A_448 : vector<16xf32>
      %mul3A_450 = arith.constant 20 : i32
      %mul3A_451 = arith.muli %scan3A_131, %mul3A_450 : i32
      %add3A_452 = arith.constant 17 : i32
      %add3A_453 = arith.addi %mul3A_451, %add3A_452 : i32
      %get3A_454 = arith.index_cast %add3A_453 : i32 to index
      %get3A_455 = arith.constant 16 : index
      %get3A_456 = tpu.vector_load %arg6[%get3A_454, %get3A_455] {strides = array<i32>} : memref<640x128xf32, #tpu.memory_space<vmem>>, vector<1x16xf32>,
      %get3A_457 = vector.shape_cast %get3A_456 : vector<1x16xf32> to vector<16xf32>
      %add3A_458 = arith.addf %add3A_440, %get3A_457 : vector<16xf32>
      %mul3A_459 = arith.constant 20 : i32
      %mul3A_460 = arith.muli %scan3A_131, %mul3A_459 : i32
      %add3A_461 = arith.constant 18 : i32
      %add3A_462 = arith.addi %mul3A_460, %add3A_461 : i32
      %get3A_463 = arith.index_cast %add3A_462 : i32 to index
      %get3A_464 = arith.constant 0 : index
      %get3A_465 = tpu.vector_load %arg6[%get3A_463, %get3A_464] {strides = array<i32>} : memref<640x128xf32, #tpu.memory_space<vmem>>, vector<1x16xf32>,
      %get3A_466 = vector.shape_cast %get3A_465 : vector<1x16xf32> to vector<16xf32>
      %add3A_467 = arith.addf %add3A_449, %get3A_466 : vector<16xf32>
      %mul3A_468 = arith.constant 20 : i32
      %mul3A_469 = arith.muli %scan3A_131, %mul3A_468 : i32
      %add3A_470 = arith.constant 18 : i32
      %add3A_471 = arith.addi %mul3A_469, %add3A_470 : i32
      %get3A_472 = arith.index_cast %add3A_471 : i32 to index
      %get3A_473 = arith.constant 16 : index
      %get3A_474 = tpu.vector_load %arg6[%get3A_472, %get3A_473] {strides = array<i32>} : memref<640x128xf32, #tpu.memory_space<vmem>>, vector<1x16xf32>,
      %get3A_475 = vector.shape_cast %get3A_474 : vector<1x16xf32> to vector<16xf32>
      %add3A_476 = arith.addf %add3A_458, %get3A_475 : vector<16xf32>
      %mul3A_477 = arith.constant 20 : i32
      %mul3A_478 = arith.muli %scan3A_131, %mul3A_477 : i32
      %add3A_479 = arith.constant 19 : i32
      %add3A_480 = arith.addi %mul3A_478, %add3A_479 : i32
      %get3A_481 = arith.index_cast %add3A_480 : i32 to index
      %get3A_482 = arith.constant 0 : index
      %get3A_483 = tpu.vector_load %arg6[%get3A_481, %get3A_482] {strides = array<i32>} : memref<640x128xf32, #tpu.memory_space<vmem>>, vector<1x16xf32>,
      %get3A_484 = vector.shape_cast %get3A_483 : vector<1x16xf32> to vector<16xf32>
      %add3A_485 = arith.addf %add3A_467, %get3A_484 : vector<16xf32>
      %mul3A_486 = arith.constant 20 : i32
      %mul3A_487 = arith.muli %scan3A_131, %mul3A_486 : i32
      %add3A_488 = arith.constant 19 : i32
      %add3A_489 = arith.addi %mul3A_487, %add3A_488 : i32
      %get3A_490 = arith.index_cast %add3A_489 : i32 to index
      %get3A_491 = arith.constant 16 : index
      %get3A_492 = tpu.vector_load %arg6[%get3A_490, %get3A_491] {strides = array<i32>} : memref<640x128xf32, #tpu.memory_space<vmem>>, vector<1x16xf32>,
      %get3A_493 = vector.shape_cast %get3A_492 : vector<1x16xf32> to vector<16xf32>
      %add3A_494 = arith.addf %add3A_476, %get3A_493 : vector<16xf32>
      %swap3A = arith.index_cast %scan3A_131 : i32 to index
      %swap3A_495 = arith.constant 0 : index
      %swap3A_496 = tpu.vector_load %arg7[%swap3A, %swap3A_495] {strides = array<i32>} : memref<32x128xf32, #tpu.memory_space<vmem>>, vector<1x16xf32>,
      %swap3A_497 = vector.shape_cast %swap3A_496 : vector<1x16xf32> to vector<16xf32>
      %swap3A_498 = vector.shape_cast %add3A_485 : vector<16xf32> to vector<1x16xf32>
      tpu.vector_store %arg7[%swap3A, %swap3A_495], %swap3A_498 {strides = array<i32>} : memref<32x128xf32, #tpu.memory_space<vmem>>, vector<1x16xf32>,
      %swap3A_499 = arith.index_cast %scan3A_131 : i32 to index
      %swap3A_500 = arith.constant 16 : index
      %swap3A_501 = tpu.vector_load %arg7[%swap3A_499, %swap3A_500] {strides = array<i32>} : memref<32x128xf32, #tpu.memory_space<vmem>>, vector<1x16xf32>,
      %swap3A_502 = vector.shape_cast %swap3A_501 : vector<1x16xf32> to vector<16xf32>
      %swap3A_503 = vector.shape_cast %add3A_494 : vector<16xf32> to vector<1x16xf32>
      tpu.vector_store %arg7[%swap3A_499, %swap3A_500], %swap3A_503 {strides = array<i32>} : memref<32x128xf32, #tpu.memory_space<vmem>>, vector<1x16xf32>,
      %broadcast_in_dim3A_504 = arith.constant 0.000000e+00 : f32
      %broadcast_in_dim3A_505 = vector.broadcast %broadcast_in_dim3A_504 : f32 to vector<16xf32>
      %swap3A_506 = arith.index_cast %scan3A_131 : i32 to index
      %swap3A_507 = arith.constant 32 : index
      %swap3A_508 = tpu.vector_load %arg7[%swap3A_506, %swap3A_507] {strides = array<i32>} : memref<32x128xf32, #tpu.memory_space<vmem>>, vector<1x16xf32>,
      %swap3A_509 = vector.shape_cast %swap3A_508 : vector<1x16xf32> to vector<16xf32>
      %swap3A_510 = vector.shape_cast %broadcast_in_dim3A_505 : vector<16xf32> to vector<1x16xf32>
      tpu.vector_store %arg7[%swap3A_506, %swap3A_507], %swap3A_510 {strides = array<i32>} : memref<32x128xf32, #tpu.memory_space<vmem>>, vector<1x16xf32>,
      %swap3A_511 = arith.index_cast %scan3A_131 : i32 to index
      %swap3A_512 = arith.constant 48 : index
      %swap3A_513 = tpu.vector_load %arg7[%swap3A_511, %swap3A_512] {strides = array<i32>} : memref<32x128xf32, #tpu.memory_space<vmem>>, vector<1x16xf32>,
      %swap3A_514 = vector.shape_cast %swap3A_513 : vector<1x16xf32> to vector<16xf32>
      %swap3A_515 = vector.shape_cast %broadcast_in_dim3A_505 : vector<16xf32> to vector<1x16xf32>
      tpu.vector_store %arg7[%swap3A_511, %swap3A_512], %swap3A_515 {strides = array<i32>} : memref<32x128xf32, #tpu.memory_space<vmem>>, vector<1x16xf32>,
      %swap3A_516 = arith.index_cast %scan3A_131 : i32 to index
      %swap3A_517 = arith.constant 64 : index
      %swap3A_518 = tpu.vector_load %arg7[%swap3A_516, %swap3A_517] {strides = array<i32>} : memref<32x128xf32, #tpu.memory_space<vmem>>, vector<1x16xf32>,
      %swap3A_519 = vector.shape_cast %swap3A_518 : vector<1x16xf32> to vector<16xf32>
      %swap3A_520 = vector.shape_cast %broadcast_in_dim3A_505 : vector<16xf32> to vector<1x16xf32>
      tpu.vector_store %arg7[%swap3A_516, %swap3A_517], %swap3A_520 {strides = array<i32>} : memref<32x128xf32, #tpu.memory_space<vmem>>, vector<1x16xf32>,
      %swap3A_521 = arith.index_cast %scan3A_131 : i32 to index
      %swap3A_522 = arith.constant 80 : index
      %swap3A_523 = tpu.vector_load %arg7[%swap3A_521, %swap3A_522] {strides = array<i32>} : memref<32x128xf32, #tpu.memory_space<vmem>>, vector<1x16xf32>,
      %swap3A_524 = vector.shape_cast %swap3A_523 : vector<1x16xf32> to vector<16xf32>
      %swap3A_525 = vector.shape_cast %broadcast_in_dim3A_505 : vector<16xf32> to vector<1x16xf32>
      tpu.vector_store %arg7[%swap3A_521, %swap3A_522], %swap3A_525 {strides = array<i32>} : memref<32x128xf32, #tpu.memory_space<vmem>>, vector<1x16xf32>,
      %swap3A_526 = arith.index_cast %scan3A_131 : i32 to index
      %swap3A_527 = arith.constant 96 : index
      %swap3A_528 = tpu.vector_load %arg7[%swap3A_526, %swap3A_527] {strides = array<i32>} : memref<32x128xf32, #tpu.memory_space<vmem>>, vector<1x16xf32>,
      %swap3A_529 = vector.shape_cast %swap3A_528 : vector<1x16xf32> to vector<16xf32>
      %swap3A_530 = vector.shape_cast %broadcast_in_dim3A_505 : vector<16xf32> to vector<1x16xf32>
      tpu.vector_store %arg7[%swap3A_526, %swap3A_527], %swap3A_530 {strides = array<i32>} : memref<32x128xf32, #tpu.memory_space<vmem>>, vector<1x16xf32>,
      %swap3A_531 = arith.index_cast %scan3A_131 : i32 to index
      %swap3A_532 = arith.constant 112 : index
      %swap3A_533 = tpu.vector_load %arg7[%swap3A_531, %swap3A_532] {strides = array<i32>} : memref<32x128xf32, #tpu.memory_space<vmem>>, vector<1x16xf32>,
      %swap3A_534 = vector.shape_cast %swap3A_533 : vector<1x16xf32> to vector<16xf32>
      %swap3A_535 = vector.shape_cast %broadcast_in_dim3A_505 : vector<16xf32> to vector<1x16xf32>
      tpu.vector_store %arg7[%swap3A_531, %swap3A_532], %swap3A_535 {strides = array<i32>} : memref<32x128xf32, #tpu.memory_space<vmem>>, vector<1x16xf32>,
      %scan3A_536 = arith.constant 0 : i32
      scf.yield %scan3A_536 : i32
    }
    %scan3A_128 = arith.constant 32 : i32
    %mul3A_129 = arith.constant 32 : i32
    %mul3A_130 = arith.muli %add3A, %mul3A_129 : i32
    "tpu.region"() ({
      %run_scoped3A_131 = tpu.sem_alloc : memref<!tpu.dma_semaphore, #tpu.memory_space<semaphore_mem>>
      %dma_start3A_132 = arith.constant 0 : i32
      %dma_start3A_133 = tpu.memref_slice %arg4[%mul3A_130, %dma_start3A_132] : memref<1024x128xf32, #tpu.memory_space<hbm>> -> memref<32x128xf32, #tpu.memory_space<hbm>>
      %dma_start3A_134 = arith.constant 0 : i32
      %dma_start3A_135 = tpu.memref_slice %arg4[%mul3A_130, %dma_start3A_134] : memref<1024x128xf32, #tpu.memory_space<hbm>> -> memref<32x128xf32, #tpu.memory_space<hbm>>
      tpu.enqueue_dma source(%arg7 : memref<32x128xf32, #tpu.memory_space<vmem>>) target(%dma_start3A_135 : memref<32x128xf32, #tpu.memory_space<hbm>>) target_semaphore(%run_scoped3A_131 : memref<!tpu.dma_semaphore, #tpu.memory_space<semaphore_mem>>)
      %dma_wait3A_136 = arith.constant 0 : i32
      %dma_wait3A_137 = tpu.memref_slice %arg4[%mul3A_130, %dma_wait3A_136] : memref<1024x128xf32, #tpu.memory_space<hbm>> -> memref<32x128xf32, #tpu.memory_space<hbm>>
      %dma_wait3A_138 = arith.constant 0 : i32
      %dma_wait3A_139 = tpu.memref_slice %arg4[%mul3A_130, %dma_wait3A_138] : memref<1024x128xf32, #tpu.memory_space<hbm>> -> memref<32x128xf32, #tpu.memory_space<hbm>>
      tpu.wait_dma2 semaphore(%run_scoped3A_131 : memref<!tpu.dma_semaphore, #tpu.memory_space<semaphore_mem>>) src(%arg7 : memref<32x128xf32, #tpu.memory_space<vmem>>) dst(%dma_wait3A_139 : memref<32x128xf32, #tpu.memory_space<hbm>>)
      tpu.yield
    }) : () -> ()
    return
  }
}

module attributes {stable_mosaic.version = 14 : i64} {
  func.func @_stage1a_body(%arg0: i32, %arg1: memref<2048x128xf32, #tpu.memory_space<vmem>>, %arg2: memref<2048x32xf32, #tpu.memory_space<vmem>>, %arg3: memref<8x128xf32, #tpu.memory_space<vmem>>, %arg4: memref<8x128xf32, #tpu.memory_space<vmem>>, %arg5: memref<8x128xf32, #tpu.memory_space<vmem>>, %arg6: memref<128x128xf32, #tpu.memory_space<vmem>>, %arg7: memref<160x128xf32, #tpu.memory_space<vmem>>, %arg8: memref<32x128xf32, #tpu.memory_space<vmem>>) attributes {dimension_semantics = [#tpu.dimension_semantics<arbitrary>], iteration_bounds = array<i64: 10>, scalar_prefetch = 0 : i64, scratch_operands = 0 : i64, tpu.core_type = #tpu.core_type<tc>, window_params = [{transform_indices = @transform_0, window_bounds = array<i64: 2048, 128>}, {transform_indices = @transform_1, window_bounds = array<i64: 2048, 32>}, {pipeline_mode = #tpu.pipeline_mode<synchronous>, transform_indices = @transform_2, window_bounds = array<i64: 8, 128>}, {pipeline_mode = #tpu.pipeline_mode<synchronous>, transform_indices = @transform_3, window_bounds = array<i64: 8, 128>}, {pipeline_mode = #tpu.pipeline_mode<synchronous>, transform_indices = @transform_4, window_bounds = array<i64: 8, 128>}, {pipeline_mode = #tpu.pipeline_mode<synchronous>, transform_indices = @transform_5, window_bounds = array<i64: 128, 128>}, {pipeline_mode = #tpu.pipeline_mode<synchronous>, transform_indices = @transform_6, window_bounds = array<i64: 160, 128>}, {pipeline_mode = #tpu.pipeline_mode<synchronous>, transform_indices = @transform_7, window_bounds = array<i64: 32, 128>}]} {
    %eq3A = arith.constant 0 : i32
    %eq3A_0 = arith.cmpi eq, %arg0, %eq3A : i32
    %convert_element_type3A = arith.extui %eq3A_0 : i1 to i32
    %cond3A = arith.constant 0 : i32
    %cond3A_1 = arith.cmpi ne, %convert_element_type3A, %cond3A : i32
    scf.if %cond3A_1 {
      %broadcast_in_dim3A_146 = arith.constant 0.000000e+00 : f32
      %broadcast_in_dim3A_147 = vector.broadcast %broadcast_in_dim3A_146 : f32 to vector<160x128xf32>
      %swap3A_148 = arith.constant 0 : index
      %swap3A_149 = arith.constant 0 : index
      %swap3A_150 = vector.load %arg7[%swap3A_148, %swap3A_149] : memref<160x128xf32, #tpu.memory_space<vmem>>, vector<160x128xf32>
      tpu.vector_store %arg7[%swap3A_148, %swap3A_149], %broadcast_in_dim3A_147 {strides = array<i32>} : memref<160x128xf32, #tpu.memory_space<vmem>>, vector<160x128xf32>,
      %broadcast_in_dim3A_151 = arith.constant 0.000000e+00 : f32
      %broadcast_in_dim3A_152 = vector.broadcast %broadcast_in_dim3A_151 : f32 to vector<32x128xf32>
      %swap3A_153 = arith.constant 0 : index
      %swap3A_154 = arith.constant 0 : index
      %swap3A_155 = vector.load %arg8[%swap3A_153, %swap3A_154] : memref<32x128xf32, #tpu.memory_space<vmem>>, vector<32x128xf32>
      tpu.vector_store %arg8[%swap3A_153, %swap3A_154], %broadcast_in_dim3A_152 {strides = array<i32>} : memref<32x128xf32, #tpu.memory_space<vmem>>, vector<32x128xf32>,
    } else {
    }
    %get3A = arith.constant 0 : index
    %get3A_2 = arith.constant 0 : index
    %get3A_3 = vector.load %arg1[%get3A, %get3A_2] : memref<2048x128xf32, #tpu.memory_space<vmem>>, vector<2048x128xf32>
    %get3A_4 = arith.constant 0 : index
    %get3A_5 = arith.constant 0 : index
    %get3A_6 = vector.load %arg2[%get3A_4, %get3A_5] : memref<2048x32xf32, #tpu.memory_space<vmem>>, vector<2048x32xf32>
    %get3A_7 = arith.constant 0 : index
    %get3A_8 = arith.constant 0 : index
    %get3A_9 = vector.load %arg6[%get3A_7, %get3A_8] : memref<128x128xf32, #tpu.memory_space<vmem>>, vector<128x128xf32>
    %broadcast_in_dim3A = arith.constant 1.000000e+00 : f32
    %broadcast_in_dim3A_10 = vector.broadcast %broadcast_in_dim3A : f32 to vector<2048x128xf32>
    %get3A_11 = arith.constant 0 : index
    %get3A_12 = arith.constant 0 : index
    %get3A_13 = vector.load %arg8[%get3A_11, %get3A_12] : memref<32x128xf32, #tpu.memory_space<vmem>>, vector<32x128xf32>
    %dot_general3A = arith.constant dense<0.000000e+00> : vector<32x128xf32>
    %dot_general3A_14 = tpu.matmul %get3A_6, %broadcast_in_dim3A_10, %dot_general3A {dimension_numbers = #tpu.dot_dimension_numbers<[0], [0], [1], [1], [0, 1, 1, 1], [], []>, transpose_lhs_hint = false} : vector<2048x32xf32>, vector<2048x128xf32>, vector<32x128xf32> -> vector<32x128xf32>
    %add3A = arith.addf %get3A_13, %dot_general3A_14 : vector<32x128xf32>
    %swap3A = arith.constant 0 : index
    %swap3A_15 = arith.constant 0 : index
    %swap3A_16 = vector.load %arg8[%swap3A, %swap3A_15] : memref<32x128xf32, #tpu.memory_space<vmem>>, vector<32x128xf32>
    tpu.vector_store %arg8[%swap3A, %swap3A_15], %add3A {strides = array<i32>} : memref<32x128xf32, #tpu.memory_space<vmem>>, vector<32x128xf32>,
    %get3A_17 = arith.constant 0 : index
    %get3A_18 = arith.constant 0 : index
    %get3A_19 = vector.load %arg3[%get3A_17, %get3A_18] : memref<8x128xf32, #tpu.memory_space<vmem>>, vector<1x128xf32>
    %mul3A = vector.broadcast %get3A_19 : vector<1x128xf32> to vector<2048x128xf32>
    %mul3A_20 = arith.mulf %get3A_3, %mul3A : vector<2048x128xf32>
    %dot_general3A_21 = arith.constant dense<0.000000e+00> : vector<2048x128xf32>
    %dot_general3A_22 = tpu.matmul %mul3A_20, %get3A_9, %dot_general3A_21 {dimension_numbers = #tpu.dot_dimension_numbers<[1], [1], [0], [0], [0, 0, 1, 0], [], []>, transpose_lhs_hint = false} : vector<2048x128xf32>, vector<128x128xf32>, vector<2048x128xf32> -> vector<2048x128xf32>
    %get3A_23 = arith.constant 0 : index
    %get3A_24 = arith.constant 0 : index
    %get3A_25 = vector.load %arg4[%get3A_23, %get3A_24] : memref<8x128xf32, #tpu.memory_space<vmem>>, vector<1x128xf32>
    %mul3A_26 = vector.broadcast %get3A_25 : vector<1x128xf32> to vector<2048x128xf32>
    %mul3A_27 = arith.mulf %dot_general3A_22, %mul3A_26 : vector<2048x128xf32>
    %get3A_28 = arith.constant 0 : index
    %get3A_29 = arith.constant 0 : index
    %get3A_30 = vector.load %arg5[%get3A_28, %get3A_29] : memref<8x128xf32, #tpu.memory_space<vmem>>, vector<1x128xf32>
    %add3A_31 = vector.broadcast %get3A_30 : vector<1x128xf32> to vector<2048x128xf32>
    %add3A_32 = arith.addf %mul3A_27, %add3A_31 : vector<2048x128xf32>
    %get3A_33 = arith.constant 0 : index
    %get3A_34 = arith.constant 0 : index
    %get3A_35 = vector.load %arg7[%get3A_33, %get3A_34] : memref<160x128xf32, #tpu.memory_space<vmem>>, vector<32x128xf32>
    %dot_general3A_36 = arith.constant dense<0.000000e+00> : vector<32x128xf32>
    %dot_general3A_37 = tpu.matmul %get3A_6, %add3A_32, %dot_general3A_36 {dimension_numbers = #tpu.dot_dimension_numbers<[0], [0], [1], [1], [0, 1, 1, 1], [], []>, transpose_lhs_hint = false} : vector<2048x32xf32>, vector<2048x128xf32>, vector<32x128xf32> -> vector<32x128xf32>
    %add3A_38 = arith.addf %get3A_35, %dot_general3A_37 : vector<32x128xf32>
    %swap3A_39 = arith.constant 0 : index
    %swap3A_40 = arith.constant 0 : index
    %swap3A_41 = vector.load %arg7[%swap3A_39, %swap3A_40] : memref<160x128xf32, #tpu.memory_space<vmem>>, vector<32x128xf32>
    tpu.vector_store %arg7[%swap3A_39, %swap3A_40], %add3A_38 {strides = array<i32>} : memref<160x128xf32, #tpu.memory_space<vmem>>, vector<32x128xf32>,
    %get3A_42 = arith.constant 1 : index
    %get3A_43 = arith.constant 0 : index
    %get3A_44 = vector.load %arg3[%get3A_42, %get3A_43] : memref<8x128xf32, #tpu.memory_space<vmem>>, vector<1x128xf32>
    %mul3A_45 = vector.broadcast %get3A_44 : vector<1x128xf32> to vector<2048x128xf32>
    %mul3A_46 = arith.mulf %get3A_3, %mul3A_45 : vector<2048x128xf32>
    %dot_general3A_47 = arith.constant dense<0.000000e+00> : vector<2048x128xf32>
    %dot_general3A_48 = tpu.matmul %mul3A_46, %get3A_9, %dot_general3A_47 {dimension_numbers = #tpu.dot_dimension_numbers<[1], [1], [0], [0], [0, 0, 1, 0], [], []>, transpose_lhs_hint = false} : vector<2048x128xf32>, vector<128x128xf32>, vector<2048x128xf32> -> vector<2048x128xf32>
    %get3A_49 = arith.constant 1 : index
    %get3A_50 = arith.constant 0 : index
    %get3A_51 = vector.load %arg4[%get3A_49, %get3A_50] : memref<8x128xf32, #tpu.memory_space<vmem>>, vector<1x128xf32>
    %mul3A_52 = vector.broadcast %get3A_51 : vector<1x128xf32> to vector<2048x128xf32>
    %mul3A_53 = arith.mulf %dot_general3A_48, %mul3A_52 : vector<2048x128xf32>
    %get3A_54 = arith.constant 1 : index
    %get3A_55 = arith.constant 0 : index
    %get3A_56 = vector.load %arg5[%get3A_54, %get3A_55] : memref<8x128xf32, #tpu.memory_space<vmem>>, vector<1x128xf32>
    %add3A_57 = vector.broadcast %get3A_56 : vector<1x128xf32> to vector<2048x128xf32>
    %add3A_58 = arith.addf %mul3A_53, %add3A_57 : vector<2048x128xf32>
    %get3A_59 = arith.constant 32 : index
    %get3A_60 = arith.constant 0 : index
    %get3A_61 = vector.load %arg7[%get3A_59, %get3A_60] : memref<160x128xf32, #tpu.memory_space<vmem>>, vector<32x128xf32>
    %dot_general3A_62 = arith.constant dense<0.000000e+00> : vector<32x128xf32>
    %dot_general3A_63 = tpu.matmul %get3A_6, %add3A_58, %dot_general3A_62 {dimension_numbers = #tpu.dot_dimension_numbers<[0], [0], [1], [1], [0, 1, 1, 1], [], []>, transpose_lhs_hint = false} : vector<2048x32xf32>, vector<2048x128xf32>, vector<32x128xf32> -> vector<32x128xf32>
    %add3A_64 = arith.addf %get3A_61, %dot_general3A_63 : vector<32x128xf32>
    %swap3A_65 = arith.constant 32 : index
    %swap3A_66 = arith.constant 0 : index
    %swap3A_67 = vector.load %arg7[%swap3A_65, %swap3A_66] : memref<160x128xf32, #tpu.memory_space<vmem>>, vector<32x128xf32>
    tpu.vector_store %arg7[%swap3A_65, %swap3A_66], %add3A_64 {strides = array<i32>} : memref<160x128xf32, #tpu.memory_space<vmem>>, vector<32x128xf32>,
    %get3A_68 = arith.constant 2 : index
    %get3A_69 = arith.constant 0 : index
    %get3A_70 = vector.load %arg3[%get3A_68, %get3A_69] : memref<8x128xf32, #tpu.memory_space<vmem>>, vector<1x128xf32>
    %mul3A_71 = vector.broadcast %get3A_70 : vector<1x128xf32> to vector<2048x128xf32>
    %mul3A_72 = arith.mulf %get3A_3, %mul3A_71 : vector<2048x128xf32>
    %dot_general3A_73 = arith.constant dense<0.000000e+00> : vector<2048x128xf32>
    %dot_general3A_74 = tpu.matmul %mul3A_72, %get3A_9, %dot_general3A_73 {dimension_numbers = #tpu.dot_dimension_numbers<[1], [1], [0], [0], [0, 0, 1, 0], [], []>, transpose_lhs_hint = false} : vector<2048x128xf32>, vector<128x128xf32>, vector<2048x128xf32> -> vector<2048x128xf32>
    %get3A_75 = arith.constant 2 : index
    %get3A_76 = arith.constant 0 : index
    %get3A_77 = vector.load %arg4[%get3A_75, %get3A_76] : memref<8x128xf32, #tpu.memory_space<vmem>>, vector<1x128xf32>
    %mul3A_78 = vector.broadcast %get3A_77 : vector<1x128xf32> to vector<2048x128xf32>
    %mul3A_79 = arith.mulf %dot_general3A_74, %mul3A_78 : vector<2048x128xf32>
    %get3A_80 = arith.constant 2 : index
    %get3A_81 = arith.constant 0 : index
    %get3A_82 = vector.load %arg5[%get3A_80, %get3A_81] : memref<8x128xf32, #tpu.memory_space<vmem>>, vector<1x128xf32>
    %add3A_83 = vector.broadcast %get3A_82 : vector<1x128xf32> to vector<2048x128xf32>
    %add3A_84 = arith.addf %mul3A_79, %add3A_83 : vector<2048x128xf32>
    %get3A_85 = arith.constant 64 : index
    %get3A_86 = arith.constant 0 : index
    %get3A_87 = vector.load %arg7[%get3A_85, %get3A_86] : memref<160x128xf32, #tpu.memory_space<vmem>>, vector<32x128xf32>
    %dot_general3A_88 = arith.constant dense<0.000000e+00> : vector<32x128xf32>
    %dot_general3A_89 = tpu.matmul %get3A_6, %add3A_84, %dot_general3A_88 {dimension_numbers = #tpu.dot_dimension_numbers<[0], [0], [1], [1], [0, 1, 1, 1], [], []>, transpose_lhs_hint = false} : vector<2048x32xf32>, vector<2048x128xf32>, vector<32x128xf32> -> vector<32x128xf32>
    %add3A_90 = arith.addf %get3A_87, %dot_general3A_89 : vector<32x128xf32>
    %swap3A_91 = arith.constant 64 : index
    %swap3A_92 = arith.constant 0 : index
    %swap3A_93 = vector.load %arg7[%swap3A_91, %swap3A_92] : memref<160x128xf32, #tpu.memory_space<vmem>>, vector<32x128xf32>
    tpu.vector_store %arg7[%swap3A_91, %swap3A_92], %add3A_90 {strides = array<i32>} : memref<160x128xf32, #tpu.memory_space<vmem>>, vector<32x128xf32>,
    %get3A_94 = arith.constant 3 : index
    %get3A_95 = arith.constant 0 : index
    %get3A_96 = vector.load %arg3[%get3A_94, %get3A_95] : memref<8x128xf32, #tpu.memory_space<vmem>>, vector<1x128xf32>
    %mul3A_97 = vector.broadcast %get3A_96 : vector<1x128xf32> to vector<2048x128xf32>
    %mul3A_98 = arith.mulf %get3A_3, %mul3A_97 : vector<2048x128xf32>
    %dot_general3A_99 = arith.constant dense<0.000000e+00> : vector<2048x128xf32>
    %dot_general3A_100 = tpu.matmul %mul3A_98, %get3A_9, %dot_general3A_99 {dimension_numbers = #tpu.dot_dimension_numbers<[1], [1], [0], [0], [0, 0, 1, 0], [], []>, transpose_lhs_hint = false} : vector<2048x128xf32>, vector<128x128xf32>, vector<2048x128xf32> -> vector<2048x128xf32>
    %get3A_101 = arith.constant 3 : index
    %get3A_102 = arith.constant 0 : index
    %get3A_103 = vector.load %arg4[%get3A_101, %get3A_102] : memref<8x128xf32, #tpu.memory_space<vmem>>, vector<1x128xf32>
    %mul3A_104 = vector.broadcast %get3A_103 : vector<1x128xf32> to vector<2048x128xf32>
    %mul3A_105 = arith.mulf %dot_general3A_100, %mul3A_104 : vector<2048x128xf32>
    %get3A_106 = arith.constant 3 : index
    %get3A_107 = arith.constant 0 : index
    %get3A_108 = vector.load %arg5[%get3A_106, %get3A_107] : memref<8x128xf32, #tpu.memory_space<vmem>>, vector<1x128xf32>
    %add3A_109 = vector.broadcast %get3A_108 : vector<1x128xf32> to vector<2048x128xf32>
    %add3A_110 = arith.addf %mul3A_105, %add3A_109 : vector<2048x128xf32>
    %get3A_111 = arith.constant 96 : index
    %get3A_112 = arith.constant 0 : index
    %get3A_113 = vector.load %arg7[%get3A_111, %get3A_112] : memref<160x128xf32, #tpu.memory_space<vmem>>, vector<32x128xf32>
    %dot_general3A_114 = arith.constant dense<0.000000e+00> : vector<32x128xf32>
    %dot_general3A_115 = tpu.matmul %get3A_6, %add3A_110, %dot_general3A_114 {dimension_numbers = #tpu.dot_dimension_numbers<[0], [0], [1], [1], [0, 1, 1, 1], [], []>, transpose_lhs_hint = false} : vector<2048x32xf32>, vector<2048x128xf32>, vector<32x128xf32> -> vector<32x128xf32>
    %add3A_116 = arith.addf %get3A_113, %dot_general3A_115 : vector<32x128xf32>
    %swap3A_117 = arith.constant 96 : index
    %swap3A_118 = arith.constant 0 : index
    %swap3A_119 = vector.load %arg7[%swap3A_117, %swap3A_118] : memref<160x128xf32, #tpu.memory_space<vmem>>, vector<32x128xf32>
    tpu.vector_store %arg7[%swap3A_117, %swap3A_118], %add3A_116 {strides = array<i32>} : memref<160x128xf32, #tpu.memory_space<vmem>>, vector<32x128xf32>,
    %get3A_120 = arith.constant 4 : index
    %get3A_121 = arith.constant 0 : index
    %get3A_122 = vector.load %arg3[%get3A_120, %get3A_121] : memref<8x128xf32, #tpu.memory_space<vmem>>, vector<1x128xf32>
    %mul3A_123 = vector.broadcast %get3A_122 : vector<1x128xf32> to vector<2048x128xf32>
    %mul3A_124 = arith.mulf %get3A_3, %mul3A_123 : vector<2048x128xf32>
    %dot_general3A_125 = arith.constant dense<0.000000e+00> : vector<2048x128xf32>
    %dot_general3A_126 = tpu.matmul %mul3A_124, %get3A_9, %dot_general3A_125 {dimension_numbers = #tpu.dot_dimension_numbers<[1], [1], [0], [0], [0, 0, 1, 0], [], []>, transpose_lhs_hint = false} : vector<2048x128xf32>, vector<128x128xf32>, vector<2048x128xf32> -> vector<2048x128xf32>
    %get3A_127 = arith.constant 4 : index
    %get3A_128 = arith.constant 0 : index
    %get3A_129 = vector.load %arg4[%get3A_127, %get3A_128] : memref<8x128xf32, #tpu.memory_space<vmem>>, vector<1x128xf32>
    %mul3A_130 = vector.broadcast %get3A_129 : vector<1x128xf32> to vector<2048x128xf32>
    %mul3A_131 = arith.mulf %dot_general3A_126, %mul3A_130 : vector<2048x128xf32>
    %get3A_132 = arith.constant 4 : index
    %get3A_133 = arith.constant 0 : index
    %get3A_134 = vector.load %arg5[%get3A_132, %get3A_133] : memref<8x128xf32, #tpu.memory_space<vmem>>, vector<1x128xf32>
    %add3A_135 = vector.broadcast %get3A_134 : vector<1x128xf32> to vector<2048x128xf32>
    %add3A_136 = arith.addf %mul3A_131, %add3A_135 : vector<2048x128xf32>
    %get3A_137 = arith.constant 128 : index
    %get3A_138 = arith.constant 0 : index
    %get3A_139 = vector.load %arg7[%get3A_137, %get3A_138] : memref<160x128xf32, #tpu.memory_space<vmem>>, vector<32x128xf32>
    %dot_general3A_140 = arith.constant dense<0.000000e+00> : vector<32x128xf32>
    %dot_general3A_141 = tpu.matmul %get3A_6, %add3A_136, %dot_general3A_140 {dimension_numbers = #tpu.dot_dimension_numbers<[0], [0], [1], [1], [0, 1, 1, 1], [], []>, transpose_lhs_hint = false} : vector<2048x32xf32>, vector<2048x128xf32>, vector<32x128xf32> -> vector<32x128xf32>
    %add3A_142 = arith.addf %get3A_139, %dot_general3A_141 : vector<32x128xf32>
    %swap3A_143 = arith.constant 128 : index
    %swap3A_144 = arith.constant 0 : index
    %swap3A_145 = vector.load %arg7[%swap3A_143, %swap3A_144] : memref<160x128xf32, #tpu.memory_space<vmem>>, vector<32x128xf32>
    tpu.vector_store %arg7[%swap3A_143, %swap3A_144], %add3A_142 {strides = array<i32>} : memref<160x128xf32, #tpu.memory_space<vmem>>, vector<32x128xf32>,
    return
  }
  func.func @transform_0(%arg0: i32) -> (i32, i32) {
    %c0_i32 = arith.constant 0 : i32
    %c0_i32_0 = arith.constant 0 : i32
    return %arg0, %c0_i32 : i32, i32
  }
  func.func @transform_1(%arg0: i32) -> (i32, i32) {
    %c0_i32 = arith.constant 0 : i32
    %c0_i32_0 = arith.constant 0 : i32
    return %arg0, %c0_i32 : i32, i32
  }
  func.func @transform_2(%arg0: i32) -> (i32, i32) {
    %c0_i32 = arith.constant 0 : i32
    %c0_i32_0 = arith.constant 0 : i32
    %c0_i32_1 = arith.constant 0 : i32
    return %c0_i32, %c0_i32_0 : i32, i32
  }
  func.func @transform_3(%arg0: i32) -> (i32, i32) {
    %c0_i32 = arith.constant 0 : i32
    %c0_i32_0 = arith.constant 0 : i32
    %c0_i32_1 = arith.constant 0 : i32
    return %c0_i32, %c0_i32_0 : i32, i32
  }
  func.func @transform_4(%arg0: i32) -> (i32, i32) {
    %c0_i32 = arith.constant 0 : i32
    %c0_i32_0 = arith.constant 0 : i32
    %c0_i32_1 = arith.constant 0 : i32
    return %c0_i32, %c0_i32_0 : i32, i32
  }
  func.func @transform_5(%arg0: i32) -> (i32, i32) {
    %c0_i32 = arith.constant 0 : i32
    %c0_i32_0 = arith.constant 0 : i32
    %c0_i32_1 = arith.constant 0 : i32
    return %c0_i32, %c0_i32_0 : i32, i32
  }
  func.func @transform_6(%arg0: i32) -> (i32, i32) {
    %c0_i32 = arith.constant 0 : i32
    %c0_i32_0 = arith.constant 0 : i32
    %c0_i32_1 = arith.constant 0 : i32
    return %c0_i32, %c0_i32_0 : i32, i32
  }
  func.func @transform_7(%arg0: i32) -> (i32, i32) {
    %c0_i32 = arith.constant 0 : i32
    %c0_i32_0 = arith.constant 0 : i32
    %c0_i32_1 = arith.constant 0 : i32
    return %c0_i32, %c0_i32_0 : i32, i32
  }
}

module attributes {stable_mosaic.version = 14 : i64} {
  func.func @_stage1b_body(%arg0: i32, %arg1: memref<2048x128xf32, #tpu.memory_space<vmem>>, %arg2: memref<8x128xf32, #tpu.memory_space<vmem>>, %arg3: memref<8x128xf32, #tpu.memory_space<vmem>>, %arg4: memref<8x128xf32, #tpu.memory_space<vmem>>, %arg5: memref<128x128xf32, #tpu.memory_space<vmem>>, %arg6: memref<160x128xf32, #tpu.memory_space<vmem>>, %arg7: memref<32x128xf32, #tpu.memory_space<vmem>>, %arg8: memref<2048x128xf32, #tpu.memory_space<vmem>>, %arg9: memref<2048x128xf32, #tpu.memory_space<vmem>>) attributes {dimension_semantics = [#tpu.dimension_semantics<arbitrary>], iteration_bounds = array<i64: 10>, scalar_prefetch = 0 : i64, scratch_operands = 0 : i64, tpu.core_type = #tpu.core_type<tc>, window_params = [{transform_indices = @transform_0, window_bounds = array<i64: 2048, 128>}, {pipeline_mode = #tpu.pipeline_mode<synchronous>, transform_indices = @transform_1, window_bounds = array<i64: 8, 128>}, {pipeline_mode = #tpu.pipeline_mode<synchronous>, transform_indices = @transform_2, window_bounds = array<i64: 8, 128>}, {pipeline_mode = #tpu.pipeline_mode<synchronous>, transform_indices = @transform_3, window_bounds = array<i64: 8, 128>}, {pipeline_mode = #tpu.pipeline_mode<synchronous>, transform_indices = @transform_4, window_bounds = array<i64: 128, 128>}, {pipeline_mode = #tpu.pipeline_mode<synchronous>, transform_indices = @transform_5, window_bounds = array<i64: 160, 128>}, {pipeline_mode = #tpu.pipeline_mode<synchronous>, transform_indices = @transform_6, window_bounds = array<i64: 32, 128>}, {transform_indices = @transform_7, window_bounds = array<i64: 2048, 128>}, {transform_indices = @transform_8, window_bounds = array<i64: 2048, 128>}]} {
    %get3A = arith.constant 0 : index
    %get3A_0 = arith.constant 0 : index
    %get3A_1 = vector.load %arg1[%get3A, %get3A_0] : memref<2048x128xf32, #tpu.memory_space<vmem>>, vector<2048x128xf32>
    %get3A_2 = arith.constant 0 : index
    %get3A_3 = arith.constant 0 : index
    %get3A_4 = vector.load %arg5[%get3A_2, %get3A_3] : memref<128x128xf32, #tpu.memory_space<vmem>>, vector<128x128xf32>
    %mul3A = arith.mulf %get3A_1, %get3A_1 : vector<2048x128xf32>
    %reduce_sum3A = arith.constant dense<0.000000e+00> : vector<2048xf32>
    %reduce_sum3A_5 = vector.multi_reduction <add>, %mul3A, %reduce_sum3A [1] : vector<2048x128xf32> to vector<2048xf32>
    %broadcast_in_dim3A = vector.shape_cast %reduce_sum3A_5 : vector<2048xf32> to vector<2048x1xf32>
    %sqrt3A = math.sqrt %broadcast_in_dim3A : vector<2048x1xf32>
    %max3A = arith.constant 9.99999996E-13 : f32
    %max3A_6 = vector.broadcast %max3A : f32 to vector<2048x1xf32>
    %max3A_7 = arith.maximumf %sqrt3A, %max3A_6 : vector<2048x1xf32>
    %div3A = vector.broadcast %max3A_7 : vector<2048x1xf32> to vector<2048x128xf32>
    %div3A_8 = arith.divf %get3A_1, %div3A : vector<2048x128xf32>
    %mul3A_9 = arith.mulf %div3A_8, %div3A_8 : vector<2048x128xf32>
    %reduce_sum3A_10 = arith.constant dense<0.000000e+00> : vector<2048xf32>
    %reduce_sum3A_11 = vector.multi_reduction <add>, %mul3A_9, %reduce_sum3A_10 [1] : vector<2048x128xf32> to vector<2048xf32>
    %broadcast_in_dim3A_12 = vector.shape_cast %reduce_sum3A_11 : vector<2048xf32> to vector<2048x1xf32>
    %mul3A_13 = arith.constant 2048 : i32
    %mul3A_14 = arith.muli %arg0, %mul3A_13 : i32
    %iota3A = tpu.iota {dimensions = array<i32: 0>} : vector<2048x1xi32>
    %add3A = vector.broadcast %mul3A_14 : i32 to vector<2048x1xi32>
    %add3A_15 = arith.addi %add3A, %iota3A : vector<2048x1xi32>
    %lt3A = arith.constant 20000 : i32
    %lt3A_16 = vector.broadcast %lt3A : i32 to vector<2048x1xi32>
    %lt3A_17 = arith.cmpi slt, %add3A_15, %lt3A_16 : vector<2048x1xi32>
    %jit3A = arith.constant 1.000000e+30 : f32
    %broadcast_in_dim3A_18 = vector.broadcast %jit3A : f32 to vector<2048x1xf32>
    %select_n3A = arith.select %lt3A_17, %broadcast_in_dim3A_12, %broadcast_in_dim3A_18 : vector<2048x1xi1>, vector<2048x1xf32>
    %iota3A_19 = tpu.iota {dimensions = array<i32: 1>} : vector<2048x128xi32>
    %eq3A = arith.constant 64 : i32
    %eq3A_20 = vector.broadcast %eq3A : i32 to vector<2048x128xi32>
    %eq3A_21 = arith.cmpi eq, %iota3A_19, %eq3A_20 : vector<2048x128xi32>
    %broadcast_in_dim3A_22 = vector.shape_cast %select_n3A : vector<2048x1xf32> to vector<2048x1xf32>
    %broadcast_in_dim3A_23 = vector.broadcast %broadcast_in_dim3A_22 : vector<2048x1xf32> to vector<2048x128xf32>
    %select_n3A_24 = arith.select %eq3A_21, %broadcast_in_dim3A_23, %div3A_8 : vector<2048x128xi1>, vector<2048x128xf32>
    %swap3A = arith.constant 0 : index
    %swap3A_25 = arith.constant 0 : index
    %swap3A_26 = vector.load %arg9[%swap3A, %swap3A_25] : memref<2048x128xf32, #tpu.memory_space<vmem>>, vector<2048x128xf32>
    tpu.vector_store %arg9[%swap3A, %swap3A_25], %select_n3A_24 {strides = array<i32>} : memref<2048x128xf32, #tpu.memory_space<vmem>>, vector<2048x128xf32>,
    %iota3A_27 = tpu.iota {dimensions = array<i32: 1>} : vector<2048x32xi32>
    %broadcast_in_dim3A_28 = arith.constant 0.000000e+00 : f32
    %broadcast_in_dim3A_29 = vector.broadcast %broadcast_in_dim3A_28 : f32 to vector<2048x32xf32>
    %get3A_30 = arith.constant 0 : index
    %get3A_31 = arith.constant 0 : index
    %get3A_32 = vector.load %arg2[%get3A_30, %get3A_31] : memref<8x128xf32, #tpu.memory_space<vmem>>, vector<1x128xf32>
    %mul3A_33 = vector.broadcast %get3A_32 : vector<1x128xf32> to vector<2048x128xf32>
    %mul3A_34 = arith.mulf %get3A_1, %mul3A_33 : vector<2048x128xf32>
    %dot_general3A = arith.constant dense<0.000000e+00> : vector<2048x128xf32>
    %dot_general3A_35 = tpu.matmul %mul3A_34, %get3A_4, %dot_general3A {dimension_numbers = #tpu.dot_dimension_numbers<[1], [1], [0], [0], [0, 0, 1, 0], [], []>, transpose_lhs_hint = false} : vector<2048x128xf32>, vector<128x128xf32>, vector<2048x128xf32> -> vector<2048x128xf32>
    %get3A_36 = arith.constant 0 : index
    %get3A_37 = arith.constant 0 : index
    %get3A_38 = vector.load %arg3[%get3A_36, %get3A_37] : memref<8x128xf32, #tpu.memory_space<vmem>>, vector<1x128xf32>
    %mul3A_39 = vector.broadcast %get3A_38 : vector<1x128xf32> to vector<2048x128xf32>
    %mul3A_40 = arith.mulf %dot_general3A_35, %mul3A_39 : vector<2048x128xf32>
    %get3A_41 = arith.constant 0 : index
    %get3A_42 = arith.constant 0 : index
    %get3A_43 = vector.load %arg4[%get3A_41, %get3A_42] : memref<8x128xf32, #tpu.memory_space<vmem>>, vector<1x128xf32>
    %add3A_44 = vector.broadcast %get3A_43 : vector<1x128xf32> to vector<2048x128xf32>
    %add3A_45 = arith.addf %mul3A_40, %add3A_44 : vector<2048x128xf32>
    %mul3A_46 = arith.mulf %add3A_45, %add3A_45 : vector<2048x128xf32>
    %reduce_sum3A_47 = arith.constant dense<0.000000e+00> : vector<2048xf32>
    %reduce_sum3A_48 = vector.multi_reduction <add>, %mul3A_46, %reduce_sum3A_47 [1] : vector<2048x128xf32> to vector<2048xf32>
    %broadcast_in_dim3A_49 = vector.shape_cast %reduce_sum3A_48 : vector<2048xf32> to vector<2048x1xf32>
    %sqrt3A_50 = math.sqrt %broadcast_in_dim3A_49 : vector<2048x1xf32>
    %max3A_51 = arith.constant 9.99999996E-13 : f32
    %max3A_52 = vector.broadcast %max3A_51 : f32 to vector<2048x1xf32>
    %max3A_53 = arith.maximumf %sqrt3A_50, %max3A_52 : vector<2048x1xf32>
    %div3A_54 = vector.broadcast %max3A_53 : vector<2048x1xf32> to vector<2048x128xf32>
    %div3A_55 = arith.divf %add3A_45, %div3A_54 : vector<2048x128xf32>
    %get3A_56 = arith.constant 0 : index
    %get3A_57 = arith.constant 0 : index
    %get3A_58 = vector.load %arg6[%get3A_56, %get3A_57] : memref<160x128xf32, #tpu.memory_space<vmem>>, vector<32x128xf32>
    %get3A_59 = arith.constant 0 : index
    %get3A_60 = arith.constant 0 : index
    %get3A_61 = vector.load %arg7[%get3A_59, %get3A_60] : memref<32x128xf32, #tpu.memory_space<vmem>>, vector<32x128xf32>
    %add3A_62 = arith.constant 9.99999996E-13 : f32
    %add3A_63 = vector.broadcast %add3A_62 : f32 to vector<32x128xf32>
    %add3A_64 = arith.addf %get3A_61, %add3A_63 : vector<32x128xf32>
    %div3A_65 = arith.divf %get3A_58, %add3A_64 : vector<32x128xf32>
    %mul3A_66 = arith.mulf %div3A_65, %div3A_65 : vector<32x128xf32>
    %reduce_sum3A_67 = arith.constant dense<0.000000e+00> : vector<32xf32>
    %reduce_sum3A_68 = vector.multi_reduction <add>, %mul3A_66, %reduce_sum3A_67 [1] : vector<32x128xf32> to vector<32xf32>
    %broadcast_in_dim3A_69 = vector.shape_cast %reduce_sum3A_68 : vector<32xf32> to vector<32x1xf32>
    %sqrt3A_70 = math.sqrt %broadcast_in_dim3A_69 : vector<32x1xf32>
    %max3A_71 = arith.constant 9.99999996E-13 : f32
    %max3A_72 = vector.broadcast %max3A_71 : f32 to vector<32x1xf32>
    %max3A_73 = arith.maximumf %sqrt3A_70, %max3A_72 : vector<32x1xf32>
    %div3A_74 = vector.broadcast %max3A_73 : vector<32x1xf32> to vector<32x128xf32>
    %div3A_75 = arith.divf %div3A_65, %div3A_74 : vector<32x128xf32>
    %dot_general3A_76 = arith.constant dense<0.000000e+00> : vector<2048x32xf32>
    %dot_general3A_77 = tpu.matmul %div3A_55, %div3A_75, %dot_general3A_76 {dimension_numbers = #tpu.dot_dimension_numbers<[1], [1], [0], [0], [0, 0, 1, 0], [], []>, transpose_lhs_hint = false} : vector<2048x128xf32>, vector<32x128xf32>, vector<2048x32xf32> -> vector<2048x32xf32>
    %mul3A_78 = arith.constant 1.000000e+01 : f32
    %mul3A_79 = vector.broadcast %mul3A_78 : f32 to vector<2048x32xf32>
    %mul3A_80 = arith.mulf %mul3A_79, %dot_general3A_77 : vector<2048x32xf32>
    %lt3A_81 = arith.constant 17 : i32
    %lt3A_82 = vector.broadcast %lt3A_81 : i32 to vector<2048x32xi32>
    %lt3A_83 = arith.cmpi slt, %iota3A_27, %lt3A_82 : vector<2048x32xi32>
    %jit3A_84 = arith.constant -1.000000e+30 : f32
    %broadcast_in_dim3A_85 = vector.broadcast %jit3A_84 : f32 to vector<2048x32xf32>
    %select_n3A_86 = arith.select %lt3A_83, %mul3A_80, %broadcast_in_dim3A_85 : vector<2048x32xi1>, vector<2048x32xf32>
    %reduce_max3A = arith.constant dense<0xFF800000> : vector<2048xf32>
    %reduce_max3A_87 = vector.multi_reduction <maximumf>, %select_n3A_86, %reduce_max3A [1] : vector<2048x32xf32> to vector<2048xf32>
    %broadcast_in_dim3A_88 = vector.shape_cast %reduce_max3A_87 : vector<2048xf32> to vector<2048x1xf32>
    %sub3A = vector.broadcast %broadcast_in_dim3A_88 : vector<2048x1xf32> to vector<2048x32xf32>
    %sub3A_89 = arith.subf %select_n3A_86, %sub3A : vector<2048x32xf32>
    %exp3A = math.exp %sub3A_89 : vector<2048x32xf32>
    %reduce_sum3A_90 = arith.constant dense<0.000000e+00> : vector<2048xf32>
    %reduce_sum3A_91 = vector.multi_reduction <add>, %exp3A, %reduce_sum3A_90 [1] : vector<2048x32xf32> to vector<2048xf32>
    %broadcast_in_dim3A_92 = vector.shape_cast %reduce_sum3A_91 : vector<2048xf32> to vector<2048x1xf32>
    %div3A_93 = vector.broadcast %broadcast_in_dim3A_92 : vector<2048x1xf32> to vector<2048x32xf32>
    %div3A_94 = arith.divf %exp3A, %div3A_93 : vector<2048x32xf32>
    %add3A_95 = arith.addf %broadcast_in_dim3A_29, %div3A_94 : vector<2048x32xf32>
    %get3A_96 = arith.constant 1 : index
    %get3A_97 = arith.constant 0 : index
    %get3A_98 = vector.load %arg2[%get3A_96, %get3A_97] : memref<8x128xf32, #tpu.memory_space<vmem>>, vector<1x128xf32>
    %mul3A_99 = vector.broadcast %get3A_98 : vector<1x128xf32> to vector<2048x128xf32>
    %mul3A_100 = arith.mulf %get3A_1, %mul3A_99 : vector<2048x128xf32>
    %dot_general3A_101 = arith.constant dense<0.000000e+00> : vector<2048x128xf32>
    %dot_general3A_102 = tpu.matmul %mul3A_100, %get3A_4, %dot_general3A_101 {dimension_numbers = #tpu.dot_dimension_numbers<[1], [1], [0], [0], [0, 0, 1, 0], [], []>, transpose_lhs_hint = false} : vector<2048x128xf32>, vector<128x128xf32>, vector<2048x128xf32> -> vector<2048x128xf32>
    %get3A_103 = arith.constant 1 : index
    %get3A_104 = arith.constant 0 : index
    %get3A_105 = vector.load %arg3[%get3A_103, %get3A_104] : memref<8x128xf32, #tpu.memory_space<vmem>>, vector<1x128xf32>
    %mul3A_106 = vector.broadcast %get3A_105 : vector<1x128xf32> to vector<2048x128xf32>
    %mul3A_107 = arith.mulf %dot_general3A_102, %mul3A_106 : vector<2048x128xf32>
    %get3A_108 = arith.constant 1 : index
    %get3A_109 = arith.constant 0 : index
    %get3A_110 = vector.load %arg4[%get3A_108, %get3A_109] : memref<8x128xf32, #tpu.memory_space<vmem>>, vector<1x128xf32>
    %add3A_111 = vector.broadcast %get3A_110 : vector<1x128xf32> to vector<2048x128xf32>
    %add3A_112 = arith.addf %mul3A_107, %add3A_111 : vector<2048x128xf32>
    %mul3A_113 = arith.mulf %add3A_112, %add3A_112 : vector<2048x128xf32>
    %reduce_sum3A_114 = arith.constant dense<0.000000e+00> : vector<2048xf32>
    %reduce_sum3A_115 = vector.multi_reduction <add>, %mul3A_113, %reduce_sum3A_114 [1] : vector<2048x128xf32> to vector<2048xf32>
    %broadcast_in_dim3A_116 = vector.shape_cast %reduce_sum3A_115 : vector<2048xf32> to vector<2048x1xf32>
    %sqrt3A_117 = math.sqrt %broadcast_in_dim3A_116 : vector<2048x1xf32>
    %max3A_118 = arith.constant 9.99999996E-13 : f32
    %max3A_119 = vector.broadcast %max3A_118 : f32 to vector<2048x1xf32>
    %max3A_120 = arith.maximumf %sqrt3A_117, %max3A_119 : vector<2048x1xf32>
    %div3A_121 = vector.broadcast %max3A_120 : vector<2048x1xf32> to vector<2048x128xf32>
    %div3A_122 = arith.divf %add3A_112, %div3A_121 : vector<2048x128xf32>
    %get3A_123 = arith.constant 32 : index
    %get3A_124 = arith.constant 0 : index
    %get3A_125 = vector.load %arg6[%get3A_123, %get3A_124] : memref<160x128xf32, #tpu.memory_space<vmem>>, vector<32x128xf32>
    %get3A_126 = arith.constant 0 : index
    %get3A_127 = arith.constant 0 : index
    %get3A_128 = vector.load %arg7[%get3A_126, %get3A_127] : memref<32x128xf32, #tpu.memory_space<vmem>>, vector<32x128xf32>
    %add3A_129 = arith.constant 9.99999996E-13 : f32
    %add3A_130 = vector.broadcast %add3A_129 : f32 to vector<32x128xf32>
    %add3A_131 = arith.addf %get3A_128, %add3A_130 : vector<32x128xf32>
    %div3A_132 = arith.divf %get3A_125, %add3A_131 : vector<32x128xf32>
    %mul3A_133 = arith.mulf %div3A_132, %div3A_132 : vector<32x128xf32>
    %reduce_sum3A_134 = arith.constant dense<0.000000e+00> : vector<32xf32>
    %reduce_sum3A_135 = vector.multi_reduction <add>, %mul3A_133, %reduce_sum3A_134 [1] : vector<32x128xf32> to vector<32xf32>
    %broadcast_in_dim3A_136 = vector.shape_cast %reduce_sum3A_135 : vector<32xf32> to vector<32x1xf32>
    %sqrt3A_137 = math.sqrt %broadcast_in_dim3A_136 : vector<32x1xf32>
    %max3A_138 = arith.constant 9.99999996E-13 : f32
    %max3A_139 = vector.broadcast %max3A_138 : f32 to vector<32x1xf32>
    %max3A_140 = arith.maximumf %sqrt3A_137, %max3A_139 : vector<32x1xf32>
    %div3A_141 = vector.broadcast %max3A_140 : vector<32x1xf32> to vector<32x128xf32>
    %div3A_142 = arith.divf %div3A_132, %div3A_141 : vector<32x128xf32>
    %dot_general3A_143 = arith.constant dense<0.000000e+00> : vector<2048x32xf32>
    %dot_general3A_144 = tpu.matmul %div3A_122, %div3A_142, %dot_general3A_143 {dimension_numbers = #tpu.dot_dimension_numbers<[1], [1], [0], [0], [0, 0, 1, 0], [], []>, transpose_lhs_hint = false} : vector<2048x128xf32>, vector<32x128xf32>, vector<2048x32xf32> -> vector<2048x32xf32>
    %mul3A_145 = arith.constant 1.000000e+01 : f32
    %mul3A_146 = vector.broadcast %mul3A_145 : f32 to vector<2048x32xf32>
    %mul3A_147 = arith.mulf %mul3A_146, %dot_general3A_144 : vector<2048x32xf32>
    %lt3A_148 = arith.constant 17 : i32
    %lt3A_149 = vector.broadcast %lt3A_148 : i32 to vector<2048x32xi32>
    %lt3A_150 = arith.cmpi slt, %iota3A_27, %lt3A_149 : vector<2048x32xi32>
    %jit3A_151 = arith.constant -1.000000e+30 : f32
    %broadcast_in_dim3A_152 = vector.broadcast %jit3A_151 : f32 to vector<2048x32xf32>
    %select_n3A_153 = arith.select %lt3A_150, %mul3A_147, %broadcast_in_dim3A_152 : vector<2048x32xi1>, vector<2048x32xf32>
    %reduce_max3A_154 = arith.constant dense<0xFF800000> : vector<2048xf32>
    %reduce_max3A_155 = vector.multi_reduction <maximumf>, %select_n3A_153, %reduce_max3A_154 [1] : vector<2048x32xf32> to vector<2048xf32>
    %broadcast_in_dim3A_156 = vector.shape_cast %reduce_max3A_155 : vector<2048xf32> to vector<2048x1xf32>
    %sub3A_157 = vector.broadcast %broadcast_in_dim3A_156 : vector<2048x1xf32> to vector<2048x32xf32>
    %sub3A_158 = arith.subf %select_n3A_153, %sub3A_157 : vector<2048x32xf32>
    %exp3A_159 = math.exp %sub3A_158 : vector<2048x32xf32>
    %reduce_sum3A_160 = arith.constant dense<0.000000e+00> : vector<2048xf32>
    %reduce_sum3A_161 = vector.multi_reduction <add>, %exp3A_159, %reduce_sum3A_160 [1] : vector<2048x32xf32> to vector<2048xf32>
    %broadcast_in_dim3A_162 = vector.shape_cast %reduce_sum3A_161 : vector<2048xf32> to vector<2048x1xf32>
    %div3A_163 = vector.broadcast %broadcast_in_dim3A_162 : vector<2048x1xf32> to vector<2048x32xf32>
    %div3A_164 = arith.divf %exp3A_159, %div3A_163 : vector<2048x32xf32>
    %add3A_165 = arith.addf %add3A_95, %div3A_164 : vector<2048x32xf32>
    %get3A_166 = arith.constant 2 : index
    %get3A_167 = arith.constant 0 : index
    %get3A_168 = vector.load %arg2[%get3A_166, %get3A_167] : memref<8x128xf32, #tpu.memory_space<vmem>>, vector<1x128xf32>
    %mul3A_169 = vector.broadcast %get3A_168 : vector<1x128xf32> to vector<2048x128xf32>
    %mul3A_170 = arith.mulf %get3A_1, %mul3A_169 : vector<2048x128xf32>
    %dot_general3A_171 = arith.constant dense<0.000000e+00> : vector<2048x128xf32>
    %dot_general3A_172 = tpu.matmul %mul3A_170, %get3A_4, %dot_general3A_171 {dimension_numbers = #tpu.dot_dimension_numbers<[1], [1], [0], [0], [0, 0, 1, 0], [], []>, transpose_lhs_hint = false} : vector<2048x128xf32>, vector<128x128xf32>, vector<2048x128xf32> -> vector<2048x128xf32>
    %get3A_173 = arith.constant 2 : index
    %get3A_174 = arith.constant 0 : index
    %get3A_175 = vector.load %arg3[%get3A_173, %get3A_174] : memref<8x128xf32, #tpu.memory_space<vmem>>, vector<1x128xf32>
    %mul3A_176 = vector.broadcast %get3A_175 : vector<1x128xf32> to vector<2048x128xf32>
    %mul3A_177 = arith.mulf %dot_general3A_172, %mul3A_176 : vector<2048x128xf32>
    %get3A_178 = arith.constant 2 : index
    %get3A_179 = arith.constant 0 : index
    %get3A_180 = vector.load %arg4[%get3A_178, %get3A_179] : memref<8x128xf32, #tpu.memory_space<vmem>>, vector<1x128xf32>
    %add3A_181 = vector.broadcast %get3A_180 : vector<1x128xf32> to vector<2048x128xf32>
    %add3A_182 = arith.addf %mul3A_177, %add3A_181 : vector<2048x128xf32>
    %mul3A_183 = arith.mulf %add3A_182, %add3A_182 : vector<2048x128xf32>
    %reduce_sum3A_184 = arith.constant dense<0.000000e+00> : vector<2048xf32>
    %reduce_sum3A_185 = vector.multi_reduction <add>, %mul3A_183, %reduce_sum3A_184 [1] : vector<2048x128xf32> to vector<2048xf32>
    %broadcast_in_dim3A_186 = vector.shape_cast %reduce_sum3A_185 : vector<2048xf32> to vector<2048x1xf32>
    %sqrt3A_187 = math.sqrt %broadcast_in_dim3A_186 : vector<2048x1xf32>
    %max3A_188 = arith.constant 9.99999996E-13 : f32
    %max3A_189 = vector.broadcast %max3A_188 : f32 to vector<2048x1xf32>
    %max3A_190 = arith.maximumf %sqrt3A_187, %max3A_189 : vector<2048x1xf32>
    %div3A_191 = vector.broadcast %max3A_190 : vector<2048x1xf32> to vector<2048x128xf32>
    %div3A_192 = arith.divf %add3A_182, %div3A_191 : vector<2048x128xf32>
    %get3A_193 = arith.constant 64 : index
    %get3A_194 = arith.constant 0 : index
    %get3A_195 = vector.load %arg6[%get3A_193, %get3A_194] : memref<160x128xf32, #tpu.memory_space<vmem>>, vector<32x128xf32>
    %get3A_196 = arith.constant 0 : index
    %get3A_197 = arith.constant 0 : index
    %get3A_198 = vector.load %arg7[%get3A_196, %get3A_197] : memref<32x128xf32, #tpu.memory_space<vmem>>, vector<32x128xf32>
    %add3A_199 = arith.constant 9.99999996E-13 : f32
    %add3A_200 = vector.broadcast %add3A_199 : f32 to vector<32x128xf32>
    %add3A_201 = arith.addf %get3A_198, %add3A_200 : vector<32x128xf32>
    %div3A_202 = arith.divf %get3A_195, %add3A_201 : vector<32x128xf32>
    %mul3A_203 = arith.mulf %div3A_202, %div3A_202 : vector<32x128xf32>
    %reduce_sum3A_204 = arith.constant dense<0.000000e+00> : vector<32xf32>
    %reduce_sum3A_205 = vector.multi_reduction <add>, %mul3A_203, %reduce_sum3A_204 [1] : vector<32x128xf32> to vector<32xf32>
    %broadcast_in_dim3A_206 = vector.shape_cast %reduce_sum3A_205 : vector<32xf32> to vector<32x1xf32>
    %sqrt3A_207 = math.sqrt %broadcast_in_dim3A_206 : vector<32x1xf32>
    %max3A_208 = arith.constant 9.99999996E-13 : f32
    %max3A_209 = vector.broadcast %max3A_208 : f32 to vector<32x1xf32>
    %max3A_210 = arith.maximumf %sqrt3A_207, %max3A_209 : vector<32x1xf32>
    %div3A_211 = vector.broadcast %max3A_210 : vector<32x1xf32> to vector<32x128xf32>
    %div3A_212 = arith.divf %div3A_202, %div3A_211 : vector<32x128xf32>
    %dot_general3A_213 = arith.constant dense<0.000000e+00> : vector<2048x32xf32>
    %dot_general3A_214 = tpu.matmul %div3A_192, %div3A_212, %dot_general3A_213 {dimension_numbers = #tpu.dot_dimension_numbers<[1], [1], [0], [0], [0, 0, 1, 0], [], []>, transpose_lhs_hint = false} : vector<2048x128xf32>, vector<32x128xf32>, vector<2048x32xf32> -> vector<2048x32xf32>
    %mul3A_215 = arith.constant 1.000000e+01 : f32
    %mul3A_216 = vector.broadcast %mul3A_215 : f32 to vector<2048x32xf32>
    %mul3A_217 = arith.mulf %mul3A_216, %dot_general3A_214 : vector<2048x32xf32>
    %lt3A_218 = arith.constant 17 : i32
    %lt3A_219 = vector.broadcast %lt3A_218 : i32 to vector<2048x32xi32>
    %lt3A_220 = arith.cmpi slt, %iota3A_27, %lt3A_219 : vector<2048x32xi32>
    %jit3A_221 = arith.constant -1.000000e+30 : f32
    %broadcast_in_dim3A_222 = vector.broadcast %jit3A_221 : f32 to vector<2048x32xf32>
    %select_n3A_223 = arith.select %lt3A_220, %mul3A_217, %broadcast_in_dim3A_222 : vector<2048x32xi1>, vector<2048x32xf32>
    %reduce_max3A_224 = arith.constant dense<0xFF800000> : vector<2048xf32>
    %reduce_max3A_225 = vector.multi_reduction <maximumf>, %select_n3A_223, %reduce_max3A_224 [1] : vector<2048x32xf32> to vector<2048xf32>
    %broadcast_in_dim3A_226 = vector.shape_cast %reduce_max3A_225 : vector<2048xf32> to vector<2048x1xf32>
    %sub3A_227 = vector.broadcast %broadcast_in_dim3A_226 : vector<2048x1xf32> to vector<2048x32xf32>
    %sub3A_228 = arith.subf %select_n3A_223, %sub3A_227 : vector<2048x32xf32>
    %exp3A_229 = math.exp %sub3A_228 : vector<2048x32xf32>
    %reduce_sum3A_230 = arith.constant dense<0.000000e+00> : vector<2048xf32>
    %reduce_sum3A_231 = vector.multi_reduction <add>, %exp3A_229, %reduce_sum3A_230 [1] : vector<2048x32xf32> to vector<2048xf32>
    %broadcast_in_dim3A_232 = vector.shape_cast %reduce_sum3A_231 : vector<2048xf32> to vector<2048x1xf32>
    %div3A_233 = vector.broadcast %broadcast_in_dim3A_232 : vector<2048x1xf32> to vector<2048x32xf32>
    %div3A_234 = arith.divf %exp3A_229, %div3A_233 : vector<2048x32xf32>
    %add3A_235 = arith.addf %add3A_165, %div3A_234 : vector<2048x32xf32>
    %get3A_236 = arith.constant 3 : index
    %get3A_237 = arith.constant 0 : index
    %get3A_238 = vector.load %arg2[%get3A_236, %get3A_237] : memref<8x128xf32, #tpu.memory_space<vmem>>, vector<1x128xf32>
    %mul3A_239 = vector.broadcast %get3A_238 : vector<1x128xf32> to vector<2048x128xf32>
    %mul3A_240 = arith.mulf %get3A_1, %mul3A_239 : vector<2048x128xf32>
    %dot_general3A_241 = arith.constant dense<0.000000e+00> : vector<2048x128xf32>
    %dot_general3A_242 = tpu.matmul %mul3A_240, %get3A_4, %dot_general3A_241 {dimension_numbers = #tpu.dot_dimension_numbers<[1], [1], [0], [0], [0, 0, 1, 0], [], []>, transpose_lhs_hint = false} : vector<2048x128xf32>, vector<128x128xf32>, vector<2048x128xf32> -> vector<2048x128xf32>
    %get3A_243 = arith.constant 3 : index
    %get3A_244 = arith.constant 0 : index
    %get3A_245 = vector.load %arg3[%get3A_243, %get3A_244] : memref<8x128xf32, #tpu.memory_space<vmem>>, vector<1x128xf32>
    %mul3A_246 = vector.broadcast %get3A_245 : vector<1x128xf32> to vector<2048x128xf32>
    %mul3A_247 = arith.mulf %dot_general3A_242, %mul3A_246 : vector<2048x128xf32>
    %get3A_248 = arith.constant 3 : index
    %get3A_249 = arith.constant 0 : index
    %get3A_250 = vector.load %arg4[%get3A_248, %get3A_249] : memref<8x128xf32, #tpu.memory_space<vmem>>, vector<1x128xf32>
    %add3A_251 = vector.broadcast %get3A_250 : vector<1x128xf32> to vector<2048x128xf32>
    %add3A_252 = arith.addf %mul3A_247, %add3A_251 : vector<2048x128xf32>
    %mul3A_253 = arith.mulf %add3A_252, %add3A_252 : vector<2048x128xf32>
    %reduce_sum3A_254 = arith.constant dense<0.000000e+00> : vector<2048xf32>
    %reduce_sum3A_255 = vector.multi_reduction <add>, %mul3A_253, %reduce_sum3A_254 [1] : vector<2048x128xf32> to vector<2048xf32>
    %broadcast_in_dim3A_256 = vector.shape_cast %reduce_sum3A_255 : vector<2048xf32> to vector<2048x1xf32>
    %sqrt3A_257 = math.sqrt %broadcast_in_dim3A_256 : vector<2048x1xf32>
    %max3A_258 = arith.constant 9.99999996E-13 : f32
    %max3A_259 = vector.broadcast %max3A_258 : f32 to vector<2048x1xf32>
    %max3A_260 = arith.maximumf %sqrt3A_257, %max3A_259 : vector<2048x1xf32>
    %div3A_261 = vector.broadcast %max3A_260 : vector<2048x1xf32> to vector<2048x128xf32>
    %div3A_262 = arith.divf %add3A_252, %div3A_261 : vector<2048x128xf32>
    %get3A_263 = arith.constant 96 : index
    %get3A_264 = arith.constant 0 : index
    %get3A_265 = vector.load %arg6[%get3A_263, %get3A_264] : memref<160x128xf32, #tpu.memory_space<vmem>>, vector<32x128xf32>
    %get3A_266 = arith.constant 0 : index
    %get3A_267 = arith.constant 0 : index
    %get3A_268 = vector.load %arg7[%get3A_266, %get3A_267] : memref<32x128xf32, #tpu.memory_space<vmem>>, vector<32x128xf32>
    %add3A_269 = arith.constant 9.99999996E-13 : f32
    %add3A_270 = vector.broadcast %add3A_269 : f32 to vector<32x128xf32>
    %add3A_271 = arith.addf %get3A_268, %add3A_270 : vector<32x128xf32>
    %div3A_272 = arith.divf %get3A_265, %add3A_271 : vector<32x128xf32>
    %mul3A_273 = arith.mulf %div3A_272, %div3A_272 : vector<32x128xf32>
    %reduce_sum3A_274 = arith.constant dense<0.000000e+00> : vector<32xf32>
    %reduce_sum3A_275 = vector.multi_reduction <add>, %mul3A_273, %reduce_sum3A_274 [1] : vector<32x128xf32> to vector<32xf32>
    %broadcast_in_dim3A_276 = vector.shape_cast %reduce_sum3A_275 : vector<32xf32> to vector<32x1xf32>
    %sqrt3A_277 = math.sqrt %broadcast_in_dim3A_276 : vector<32x1xf32>
    %max3A_278 = arith.constant 9.99999996E-13 : f32
    %max3A_279 = vector.broadcast %max3A_278 : f32 to vector<32x1xf32>
    %max3A_280 = arith.maximumf %sqrt3A_277, %max3A_279 : vector<32x1xf32>
    %div3A_281 = vector.broadcast %max3A_280 : vector<32x1xf32> to vector<32x128xf32>
    %div3A_282 = arith.divf %div3A_272, %div3A_281 : vector<32x128xf32>
    %dot_general3A_283 = arith.constant dense<0.000000e+00> : vector<2048x32xf32>
    %dot_general3A_284 = tpu.matmul %div3A_262, %div3A_282, %dot_general3A_283 {dimension_numbers = #tpu.dot_dimension_numbers<[1], [1], [0], [0], [0, 0, 1, 0], [], []>, transpose_lhs_hint = false} : vector<2048x128xf32>, vector<32x128xf32>, vector<2048x32xf32> -> vector<2048x32xf32>
    %mul3A_285 = arith.constant 1.000000e+01 : f32
    %mul3A_286 = vector.broadcast %mul3A_285 : f32 to vector<2048x32xf32>
    %mul3A_287 = arith.mulf %mul3A_286, %dot_general3A_284 : vector<2048x32xf32>
    %lt3A_288 = arith.constant 17 : i32
    %lt3A_289 = vector.broadcast %lt3A_288 : i32 to vector<2048x32xi32>
    %lt3A_290 = arith.cmpi slt, %iota3A_27, %lt3A_289 : vector<2048x32xi32>
    %jit3A_291 = arith.constant -1.000000e+30 : f32
    %broadcast_in_dim3A_292 = vector.broadcast %jit3A_291 : f32 to vector<2048x32xf32>
    %select_n3A_293 = arith.select %lt3A_290, %mul3A_287, %broadcast_in_dim3A_292 : vector<2048x32xi1>, vector<2048x32xf32>
    %reduce_max3A_294 = arith.constant dense<0xFF800000> : vector<2048xf32>
    %reduce_max3A_295 = vector.multi_reduction <maximumf>, %select_n3A_293, %reduce_max3A_294 [1] : vector<2048x32xf32> to vector<2048xf32>
    %broadcast_in_dim3A_296 = vector.shape_cast %reduce_max3A_295 : vector<2048xf32> to vector<2048x1xf32>
    %sub3A_297 = vector.broadcast %broadcast_in_dim3A_296 : vector<2048x1xf32> to vector<2048x32xf32>
    %sub3A_298 = arith.subf %select_n3A_293, %sub3A_297 : vector<2048x32xf32>
    %exp3A_299 = math.exp %sub3A_298 : vector<2048x32xf32>
    %reduce_sum3A_300 = arith.constant dense<0.000000e+00> : vector<2048xf32>
    %reduce_sum3A_301 = vector.multi_reduction <add>, %exp3A_299, %reduce_sum3A_300 [1] : vector<2048x32xf32> to vector<2048xf32>
    %broadcast_in_dim3A_302 = vector.shape_cast %reduce_sum3A_301 : vector<2048xf32> to vector<2048x1xf32>
    %div3A_303 = vector.broadcast %broadcast_in_dim3A_302 : vector<2048x1xf32> to vector<2048x32xf32>
    %div3A_304 = arith.divf %exp3A_299, %div3A_303 : vector<2048x32xf32>
    %add3A_305 = arith.addf %add3A_235, %div3A_304 : vector<2048x32xf32>
    %get3A_306 = arith.constant 4 : index
    %get3A_307 = arith.constant 0 : index
    %get3A_308 = vector.load %arg2[%get3A_306, %get3A_307] : memref<8x128xf32, #tpu.memory_space<vmem>>, vector<1x128xf32>
    %mul3A_309 = vector.broadcast %get3A_308 : vector<1x128xf32> to vector<2048x128xf32>
    %mul3A_310 = arith.mulf %get3A_1, %mul3A_309 : vector<2048x128xf32>
    %dot_general3A_311 = arith.constant dense<0.000000e+00> : vector<2048x128xf32>
    %dot_general3A_312 = tpu.matmul %mul3A_310, %get3A_4, %dot_general3A_311 {dimension_numbers = #tpu.dot_dimension_numbers<[1], [1], [0], [0], [0, 0, 1, 0], [], []>, transpose_lhs_hint = false} : vector<2048x128xf32>, vector<128x128xf32>, vector<2048x128xf32> -> vector<2048x128xf32>
    %get3A_313 = arith.constant 4 : index
    %get3A_314 = arith.constant 0 : index
    %get3A_315 = vector.load %arg3[%get3A_313, %get3A_314] : memref<8x128xf32, #tpu.memory_space<vmem>>, vector<1x128xf32>
    %mul3A_316 = vector.broadcast %get3A_315 : vector<1x128xf32> to vector<2048x128xf32>
    %mul3A_317 = arith.mulf %dot_general3A_312, %mul3A_316 : vector<2048x128xf32>
    %get3A_318 = arith.constant 4 : index
    %get3A_319 = arith.constant 0 : index
    %get3A_320 = vector.load %arg4[%get3A_318, %get3A_319] : memref<8x128xf32, #tpu.memory_space<vmem>>, vector<1x128xf32>
    %add3A_321 = vector.broadcast %get3A_320 : vector<1x128xf32> to vector<2048x128xf32>
    %add3A_322 = arith.addf %mul3A_317, %add3A_321 : vector<2048x128xf32>
    %mul3A_323 = arith.mulf %add3A_322, %add3A_322 : vector<2048x128xf32>
    %reduce_sum3A_324 = arith.constant dense<0.000000e+00> : vector<2048xf32>
    %reduce_sum3A_325 = vector.multi_reduction <add>, %mul3A_323, %reduce_sum3A_324 [1] : vector<2048x128xf32> to vector<2048xf32>
    %broadcast_in_dim3A_326 = vector.shape_cast %reduce_sum3A_325 : vector<2048xf32> to vector<2048x1xf32>
    %sqrt3A_327 = math.sqrt %broadcast_in_dim3A_326 : vector<2048x1xf32>
    %max3A_328 = arith.constant 9.99999996E-13 : f32
    %max3A_329 = vector.broadcast %max3A_328 : f32 to vector<2048x1xf32>
    %max3A_330 = arith.maximumf %sqrt3A_327, %max3A_329 : vector<2048x1xf32>
    %div3A_331 = vector.broadcast %max3A_330 : vector<2048x1xf32> to vector<2048x128xf32>
    %div3A_332 = arith.divf %add3A_322, %div3A_331 : vector<2048x128xf32>
    %get3A_333 = arith.constant 128 : index
    %get3A_334 = arith.constant 0 : index
    %get3A_335 = vector.load %arg6[%get3A_333, %get3A_334] : memref<160x128xf32, #tpu.memory_space<vmem>>, vector<32x128xf32>
    %get3A_336 = arith.constant 0 : index
    %get3A_337 = arith.constant 0 : index
    %get3A_338 = vector.load %arg7[%get3A_336, %get3A_337] : memref<32x128xf32, #tpu.memory_space<vmem>>, vector<32x128xf32>
    %add3A_339 = arith.constant 9.99999996E-13 : f32
    %add3A_340 = vector.broadcast %add3A_339 : f32 to vector<32x128xf32>
    %add3A_341 = arith.addf %get3A_338, %add3A_340 : vector<32x128xf32>
    %div3A_342 = arith.divf %get3A_335, %add3A_341 : vector<32x128xf32>
    %mul3A_343 = arith.mulf %div3A_342, %div3A_342 : vector<32x128xf32>
    %reduce_sum3A_344 = arith.constant dense<0.000000e+00> : vector<32xf32>
    %reduce_sum3A_345 = vector.multi_reduction <add>, %mul3A_343, %reduce_sum3A_344 [1] : vector<32x128xf32> to vector<32xf32>
    %broadcast_in_dim3A_346 = vector.shape_cast %reduce_sum3A_345 : vector<32xf32> to vector<32x1xf32>
    %sqrt3A_347 = math.sqrt %broadcast_in_dim3A_346 : vector<32x1xf32>
    %max3A_348 = arith.constant 9.99999996E-13 : f32
    %max3A_349 = vector.broadcast %max3A_348 : f32 to vector<32x1xf32>
    %max3A_350 = arith.maximumf %sqrt3A_347, %max3A_349 : vector<32x1xf32>
    %div3A_351 = vector.broadcast %max3A_350 : vector<32x1xf32> to vector<32x128xf32>
    %div3A_352 = arith.divf %div3A_342, %div3A_351 : vector<32x128xf32>
    %dot_general3A_353 = arith.constant dense<0.000000e+00> : vector<2048x32xf32>
    %dot_general3A_354 = tpu.matmul %div3A_332, %div3A_352, %dot_general3A_353 {dimension_numbers = #tpu.dot_dimension_numbers<[1], [1], [0], [0], [0, 0, 1, 0], [], []>, transpose_lhs_hint = false} : vector<2048x128xf32>, vector<32x128xf32>, vector<2048x32xf32> -> vector<2048x32xf32>
    %mul3A_355 = arith.constant 1.000000e+01 : f32
    %mul3A_356 = vector.broadcast %mul3A_355 : f32 to vector<2048x32xf32>
    %mul3A_357 = arith.mulf %mul3A_356, %dot_general3A_354 : vector<2048x32xf32>
    %lt3A_358 = arith.constant 17 : i32
    %lt3A_359 = vector.broadcast %lt3A_358 : i32 to vector<2048x32xi32>
    %lt3A_360 = arith.cmpi slt, %iota3A_27, %lt3A_359 : vector<2048x32xi32>
    %jit3A_361 = arith.constant -1.000000e+30 : f32
    %broadcast_in_dim3A_362 = vector.broadcast %jit3A_361 : f32 to vector<2048x32xf32>
    %select_n3A_363 = arith.select %lt3A_360, %mul3A_357, %broadcast_in_dim3A_362 : vector<2048x32xi1>, vector<2048x32xf32>
    %reduce_max3A_364 = arith.constant dense<0xFF800000> : vector<2048xf32>
    %reduce_max3A_365 = vector.multi_reduction <maximumf>, %select_n3A_363, %reduce_max3A_364 [1] : vector<2048x32xf32> to vector<2048xf32>
    %broadcast_in_dim3A_366 = vector.shape_cast %reduce_max3A_365 : vector<2048xf32> to vector<2048x1xf32>
    %sub3A_367 = vector.broadcast %broadcast_in_dim3A_366 : vector<2048x1xf32> to vector<2048x32xf32>
    %sub3A_368 = arith.subf %select_n3A_363, %sub3A_367 : vector<2048x32xf32>
    %exp3A_369 = math.exp %sub3A_368 : vector<2048x32xf32>
    %reduce_sum3A_370 = arith.constant dense<0.000000e+00> : vector<2048xf32>
    %reduce_sum3A_371 = vector.multi_reduction <add>, %exp3A_369, %reduce_sum3A_370 [1] : vector<2048x32xf32> to vector<2048xf32>
    %broadcast_in_dim3A_372 = vector.shape_cast %reduce_sum3A_371 : vector<2048xf32> to vector<2048x1xf32>
    %div3A_373 = vector.broadcast %broadcast_in_dim3A_372 : vector<2048x1xf32> to vector<2048x32xf32>
    %div3A_374 = arith.divf %exp3A_369, %div3A_373 : vector<2048x32xf32>
    %add3A_375 = arith.addf %add3A_305, %div3A_374 : vector<2048x32xf32>
    %mul3A_376 = arith.constant 0.00999999977 : f32
    %mul3A_377 = vector.broadcast %mul3A_376 : f32 to vector<2048x32xf32>
    %mul3A_378 = arith.mulf %add3A_375, %mul3A_377 : vector<2048x32xf32>
    %broadcast_in_dim3A_379 = arith.constant 0.000000e+00 : f32
    %broadcast_in_dim3A_380 = vector.broadcast %broadcast_in_dim3A_379 : f32 to vector<2048x96xf32>
    %concatenate3A = tpu.concatenate %mul3A_378, %broadcast_in_dim3A_380 in 1 : vector<2048x32xf32>, vector<2048x96xf32> -> vector<2048x128xf32>
    %swap3A_381 = arith.constant 0 : index
    %swap3A_382 = arith.constant 0 : index
    %swap3A_383 = vector.load %arg8[%swap3A_381, %swap3A_382] : memref<2048x128xf32, #tpu.memory_space<vmem>>, vector<2048x128xf32>
    tpu.vector_store %arg8[%swap3A_381, %swap3A_382], %concatenate3A {strides = array<i32>} : memref<2048x128xf32, #tpu.memory_space<vmem>>, vector<2048x128xf32>,
    return
  }
  func.func @transform_0(%arg0: i32) -> (i32, i32) {
    %c0_i32 = arith.constant 0 : i32
    %c0_i32_0 = arith.constant 0 : i32
    return %arg0, %c0_i32 : i32, i32
  }
  func.func @transform_1(%arg0: i32) -> (i32, i32) {
    %c0_i32 = arith.constant 0 : i32
    %c0_i32_0 = arith.constant 0 : i32
    %c0_i32_1 = arith.constant 0 : i32
    return %c0_i32, %c0_i32_0 : i32, i32
  }
  func.func @transform_2(%arg0: i32) -> (i32, i32) {
    %c0_i32 = arith.constant 0 : i32
    %c0_i32_0 = arith.constant 0 : i32
    %c0_i32_1 = arith.constant 0 : i32
    return %c0_i32, %c0_i32_0 : i32, i32
  }
  func.func @transform_3(%arg0: i32) -> (i32, i32) {
    %c0_i32 = arith.constant 0 : i32
    %c0_i32_0 = arith.constant 0 : i32
    %c0_i32_1 = arith.constant 0 : i32
    return %c0_i32, %c0_i32_0 : i32, i32
  }
  func.func @transform_4(%arg0: i32) -> (i32, i32) {
    %c0_i32 = arith.constant 0 : i32
    %c0_i32_0 = arith.constant 0 : i32
    %c0_i32_1 = arith.constant 0 : i32
    return %c0_i32, %c0_i32_0 : i32, i32
  }
  func.func @transform_5(%arg0: i32) -> (i32, i32) {
    %c0_i32 = arith.constant 0 : i32
    %c0_i32_0 = arith.constant 0 : i32
    %c0_i32_1 = arith.constant 0 : i32
    return %c0_i32, %c0_i32_0 : i32, i32
  }
  func.func @transform_6(%arg0: i32) -> (i32, i32) {
    %c0_i32 = arith.constant 0 : i32
    %c0_i32_0 = arith.constant 0 : i32
    %c0_i32_1 = arith.constant 0 : i32
    return %c0_i32, %c0_i32_0 : i32, i32
  }
  func.func @transform_7(%arg0: i32) -> (i32, i32) {
    %c0_i32 = arith.constant 0 : i32
    %c0_i32_0 = arith.constant 0 : i32
    return %arg0, %c0_i32 : i32, i32
  }
  func.func @transform_8(%arg0: i32) -> (i32, i32) {
    %c0_i32 = arith.constant 0 : i32
    %c0_i32_0 = arith.constant 0 : i32
    return %arg0, %c0_i32 : i32, i32
  }
}

module attributes {stable_mosaic.version = 14 : i64} {
  func.func @_stage2_body(%arg0: i32, %arg1: memref<256x128xf32, #tpu.memory_space<vmem>>, %arg2: memref<20480x128xf32, #tpu.memory_space<vmem>>, %arg3: memref<256x128xi32, #tpu.memory_space<vmem>>, %arg4: memref<2x256x10240xf32, #tpu.memory_space<vmem>>) attributes {dimension_semantics = [#tpu.dimension_semantics<arbitrary>], iteration_bounds = array<i64: 4>, scalar_prefetch = 0 : i64, scratch_operands = 1 : i64, tpu.core_type = #tpu.core_type<tc>, window_params = [{transform_indices = @transform_0, window_bounds = array<i64: 256, 128>}, {pipeline_mode = #tpu.pipeline_mode<synchronous>, transform_indices = @transform_1, window_bounds = array<i64: 20480, 128>}, {transform_indices = @transform_2, window_bounds = array<i64: 256, 128>}]} {
    %get3A = arith.constant 0 : index
    %get3A_0 = arith.constant 0 : index
    %get3A_1 = vector.load %arg1[%get3A, %get3A_0] : memref<256x128xf32, #tpu.memory_space<vmem>>, vector<256x128xf32>
    %mul3A = arith.mulf %get3A_1, %get3A_1 : vector<256x128xf32>
    %reduce_sum3A = arith.constant dense<0.000000e+00> : vector<256xf32>
    %reduce_sum3A_2 = vector.multi_reduction <add>, %mul3A, %reduce_sum3A [1] : vector<256x128xf32> to vector<256xf32>
    %broadcast_in_dim3A = vector.shape_cast %reduce_sum3A_2 : vector<256xf32> to vector<256x1xf32>
    %sqrt3A = math.sqrt %broadcast_in_dim3A : vector<256x1xf32>
    %max3A = arith.constant 9.99999996E-13 : f32
    %max3A_3 = vector.broadcast %max3A : f32 to vector<256x1xf32>
    %max3A_4 = arith.maximumf %sqrt3A, %max3A_3 : vector<256x1xf32>
    %div3A = vector.broadcast %max3A_4 : vector<256x1xf32> to vector<256x128xf32>
    %div3A_5 = arith.divf %get3A_1, %div3A : vector<256x128xf32>
    %iota3A = tpu.iota {dimensions = array<i32: 1>} : vector<256x128xi32>
    %eq3A = arith.constant 64 : i32
    %eq3A_6 = vector.broadcast %eq3A : i32 to vector<256x128xi32>
    %eq3A_7 = arith.cmpi eq, %iota3A, %eq3A_6 : vector<256x128xi32>
    %mul3A_8 = arith.constant -2.000000e+00 : f32
    %mul3A_9 = vector.broadcast %mul3A_8 : f32 to vector<256x128xf32>
    %mul3A_10 = arith.mulf %mul3A_9, %div3A_5 : vector<256x128xf32>
    %jit3A = arith.constant 1.000000e+00 : f32
    %broadcast_in_dim3A_11 = vector.broadcast %jit3A : f32 to vector<256x128xf32>
    %select_n3A = arith.select %eq3A_7, %broadcast_in_dim3A_11, %mul3A_10 : vector<256x128xi1>, vector<256x128xf32>
    %get3A_12 = arith.constant 0 : index
    %get3A_13 = arith.constant 0 : index
    %get3A_14 = vector.load %arg2[%get3A_12, %get3A_13] : memref<20480x128xf32, #tpu.memory_space<vmem>>, vector<2048x128xf32>
    %dot_general3A = arith.constant dense<0.000000e+00> : vector<256x2048xf32>
    %dot_general3A_15 = tpu.matmul %select_n3A, %get3A_14, %dot_general3A {dimension_numbers = #tpu.dot_dimension_numbers<[1], [1], [0], [0], [0, 0, 1, 0], [], []>, transpose_lhs_hint = false} : vector<256x128xf32>, vector<2048x128xf32>, vector<256x2048xf32> -> vector<256x2048xf32>
    %swap3A = arith.constant 0 : index
    %swap3A_16 = arith.constant 0 : index
    %swap3A_17 = arith.constant 0 : index
    %swap3A_18 = vector.load %arg4[%swap3A, %swap3A_16, %swap3A_17] : memref<2x256x10240xf32, #tpu.memory_space<vmem>>, vector<1x256x2048xf32>
    %swap3A_19 = vector.shape_cast %swap3A_18 : vector<1x256x2048xf32> to vector<256x2048xf32>
    %swap3A_20 = vector.shape_cast %dot_general3A_15 : vector<256x2048xf32> to vector<1x256x2048xf32>
    tpu.vector_store %arg4[%swap3A, %swap3A_16, %swap3A_17], %swap3A_20 {strides = array<i32>} : memref<2x256x10240xf32, #tpu.memory_space<vmem>>, vector<1x256x2048xf32>,
    %get3A_21 = arith.constant 2048 : index
    %get3A_22 = arith.constant 0 : index
    %get3A_23 = vector.load %arg2[%get3A_21, %get3A_22] : memref<20480x128xf32, #tpu.memory_space<vmem>>, vector<2048x128xf32>
    %dot_general3A_24 = arith.constant dense<0.000000e+00> : vector<256x2048xf32>
    %dot_general3A_25 = tpu.matmul %select_n3A, %get3A_23, %dot_general3A_24 {dimension_numbers = #tpu.dot_dimension_numbers<[1], [1], [0], [0], [0, 0, 1, 0], [], []>, transpose_lhs_hint = false} : vector<256x128xf32>, vector<2048x128xf32>, vector<256x2048xf32> -> vector<256x2048xf32>
    %swap3A_26 = arith.constant 0 : index
    %swap3A_27 = arith.constant 0 : index
    %swap3A_28 = arith.constant 2048 : index
    %swap3A_29 = vector.load %arg4[%swap3A_26, %swap3A_27, %swap3A_28] : memref<2x256x10240xf32, #tpu.memory_space<vmem>>, vector<1x256x2048xf32>
    %swap3A_30 = vector.shape_cast %swap3A_29 : vector<1x256x2048xf32> to vector<256x2048xf32>
    %swap3A_31 = vector.shape_cast %dot_general3A_25 : vector<256x2048xf32> to vector<1x256x2048xf32>
    tpu.vector_store %arg4[%swap3A_26, %swap3A_27, %swap3A_28], %swap3A_31 {strides = array<i32>} : memref<2x256x10240xf32, #tpu.memory_space<vmem>>, vector<1x256x2048xf32>,
    %get3A_32 = arith.constant 4096 : index
    %get3A_33 = arith.constant 0 : index
    %get3A_34 = vector.load %arg2[%get3A_32, %get3A_33] : memref<20480x128xf32, #tpu.memory_space<vmem>>, vector<2048x128xf32>
    %dot_general3A_35 = arith.constant dense<0.000000e+00> : vector<256x2048xf32>
    %dot_general3A_36 = tpu.matmul %select_n3A, %get3A_34, %dot_general3A_35 {dimension_numbers = #tpu.dot_dimension_numbers<[1], [1], [0], [0], [0, 0, 1, 0], [], []>, transpose_lhs_hint = false} : vector<256x128xf32>, vector<2048x128xf32>, vector<256x2048xf32> -> vector<256x2048xf32>
    %swap3A_37 = arith.constant 0 : index
    %swap3A_38 = arith.constant 0 : index
    %swap3A_39 = arith.constant 4096 : index
    %swap3A_40 = vector.load %arg4[%swap3A_37, %swap3A_38, %swap3A_39] : memref<2x256x10240xf32, #tpu.memory_space<vmem>>, vector<1x256x2048xf32>
    %swap3A_41 = vector.shape_cast %swap3A_40 : vector<1x256x2048xf32> to vector<256x2048xf32>
    %swap3A_42 = vector.shape_cast %dot_general3A_36 : vector<256x2048xf32> to vector<1x256x2048xf32>
    tpu.vector_store %arg4[%swap3A_37, %swap3A_38, %swap3A_39], %swap3A_42 {strides = array<i32>} : memref<2x256x10240xf32, #tpu.memory_space<vmem>>, vector<1x256x2048xf32>,
    %get3A_43 = arith.constant 6144 : index
    %get3A_44 = arith.constant 0 : index
    %get3A_45 = vector.load %arg2[%get3A_43, %get3A_44] : memref<20480x128xf32, #tpu.memory_space<vmem>>, vector<2048x128xf32>
    %dot_general3A_46 = arith.constant dense<0.000000e+00> : vector<256x2048xf32>
    %dot_general3A_47 = tpu.matmul %select_n3A, %get3A_45, %dot_general3A_46 {dimension_numbers = #tpu.dot_dimension_numbers<[1], [1], [0], [0], [0, 0, 1, 0], [], []>, transpose_lhs_hint = false} : vector<256x128xf32>, vector<2048x128xf32>, vector<256x2048xf32> -> vector<256x2048xf32>
    %swap3A_48 = arith.constant 0 : index
    %swap3A_49 = arith.constant 0 : index
    %swap3A_50 = arith.constant 6144 : index
    %swap3A_51 = vector.load %arg4[%swap3A_48, %swap3A_49, %swap3A_50] : memref<2x256x10240xf32, #tpu.memory_space<vmem>>, vector<1x256x2048xf32>
    %swap3A_52 = vector.shape_cast %swap3A_51 : vector<1x256x2048xf32> to vector<256x2048xf32>
    %swap3A_53 = vector.shape_cast %dot_general3A_47 : vector<256x2048xf32> to vector<1x256x2048xf32>
    tpu.vector_store %arg4[%swap3A_48, %swap3A_49, %swap3A_50], %swap3A_53 {strides = array<i32>} : memref<2x256x10240xf32, #tpu.memory_space<vmem>>, vector<1x256x2048xf32>,
    %get3A_54 = arith.constant 8192 : index
    %get3A_55 = arith.constant 0 : index
    %get3A_56 = vector.load %arg2[%get3A_54, %get3A_55] : memref<20480x128xf32, #tpu.memory_space<vmem>>, vector<2048x128xf32>
    %dot_general3A_57 = arith.constant dense<0.000000e+00> : vector<256x2048xf32>
    %dot_general3A_58 = tpu.matmul %select_n3A, %get3A_56, %dot_general3A_57 {dimension_numbers = #tpu.dot_dimension_numbers<[1], [1], [0], [0], [0, 0, 1, 0], [], []>, transpose_lhs_hint = false} : vector<256x128xf32>, vector<2048x128xf32>, vector<256x2048xf32> -> vector<256x2048xf32>
    %swap3A_59 = arith.constant 0 : index
    %swap3A_60 = arith.constant 0 : index
    %swap3A_61 = arith.constant 8192 : index
    %swap3A_62 = vector.load %arg4[%swap3A_59, %swap3A_60, %swap3A_61] : memref<2x256x10240xf32, #tpu.memory_space<vmem>>, vector<1x256x2048xf32>
    %swap3A_63 = vector.shape_cast %swap3A_62 : vector<1x256x2048xf32> to vector<256x2048xf32>
    %swap3A_64 = vector.shape_cast %dot_general3A_58 : vector<256x2048xf32> to vector<1x256x2048xf32>
    tpu.vector_store %arg4[%swap3A_59, %swap3A_60, %swap3A_61], %swap3A_64 {strides = array<i32>} : memref<2x256x10240xf32, #tpu.memory_space<vmem>>, vector<1x256x2048xf32>,
    %get3A_65 = arith.constant 10240 : index
    %get3A_66 = arith.constant 0 : index
    %get3A_67 = vector.load %arg2[%get3A_65, %get3A_66] : memref<20480x128xf32, #tpu.memory_space<vmem>>, vector<2048x128xf32>
    %dot_general3A_68 = arith.constant dense<0.000000e+00> : vector<256x2048xf32>
    %dot_general3A_69 = tpu.matmul %select_n3A, %get3A_67, %dot_general3A_68 {dimension_numbers = #tpu.dot_dimension_numbers<[1], [1], [0], [0], [0, 0, 1, 0], [], []>, transpose_lhs_hint = false} : vector<256x128xf32>, vector<2048x128xf32>, vector<256x2048xf32> -> vector<256x2048xf32>
    %swap3A_70 = arith.constant 1 : index
    %swap3A_71 = arith.constant 0 : index
    %swap3A_72 = arith.constant 0 : index
    %swap3A_73 = vector.load %arg4[%swap3A_70, %swap3A_71, %swap3A_72] : memref<2x256x10240xf32, #tpu.memory_space<vmem>>, vector<1x256x2048xf32>
    %swap3A_74 = vector.shape_cast %swap3A_73 : vector<1x256x2048xf32> to vector<256x2048xf32>
    %swap3A_75 = vector.shape_cast %dot_general3A_69 : vector<256x2048xf32> to vector<1x256x2048xf32>
    tpu.vector_store %arg4[%swap3A_70, %swap3A_71, %swap3A_72], %swap3A_75 {strides = array<i32>} : memref<2x256x10240xf32, #tpu.memory_space<vmem>>, vector<1x256x2048xf32>,
    %get3A_76 = arith.constant 12288 : index
    %get3A_77 = arith.constant 0 : index
    %get3A_78 = vector.load %arg2[%get3A_76, %get3A_77] : memref<20480x128xf32, #tpu.memory_space<vmem>>, vector<2048x128xf32>
    %dot_general3A_79 = arith.constant dense<0.000000e+00> : vector<256x2048xf32>
    %dot_general3A_80 = tpu.matmul %select_n3A, %get3A_78, %dot_general3A_79 {dimension_numbers = #tpu.dot_dimension_numbers<[1], [1], [0], [0], [0, 0, 1, 0], [], []>, transpose_lhs_hint = false} : vector<256x128xf32>, vector<2048x128xf32>, vector<256x2048xf32> -> vector<256x2048xf32>
    %swap3A_81 = arith.constant 1 : index
    %swap3A_82 = arith.constant 0 : index
    %swap3A_83 = arith.constant 2048 : index
    %swap3A_84 = vector.load %arg4[%swap3A_81, %swap3A_82, %swap3A_83] : memref<2x256x10240xf32, #tpu.memory_space<vmem>>, vector<1x256x2048xf32>
    %swap3A_85 = vector.shape_cast %swap3A_84 : vector<1x256x2048xf32> to vector<256x2048xf32>
    %swap3A_86 = vector.shape_cast %dot_general3A_80 : vector<256x2048xf32> to vector<1x256x2048xf32>
    tpu.vector_store %arg4[%swap3A_81, %swap3A_82, %swap3A_83], %swap3A_86 {strides = array<i32>} : memref<2x256x10240xf32, #tpu.memory_space<vmem>>, vector<1x256x2048xf32>,
    %get3A_87 = arith.constant 14336 : index
    %get3A_88 = arith.constant 0 : index
    %get3A_89 = vector.load %arg2[%get3A_87, %get3A_88] : memref<20480x128xf32, #tpu.memory_space<vmem>>, vector<2048x128xf32>
    %dot_general3A_90 = arith.constant dense<0.000000e+00> : vector<256x2048xf32>
    %dot_general3A_91 = tpu.matmul %select_n3A, %get3A_89, %dot_general3A_90 {dimension_numbers = #tpu.dot_dimension_numbers<[1], [1], [0], [0], [0, 0, 1, 0], [], []>, transpose_lhs_hint = false} : vector<256x128xf32>, vector<2048x128xf32>, vector<256x2048xf32> -> vector<256x2048xf32>
    %swap3A_92 = arith.constant 1 : index
    %swap3A_93 = arith.constant 0 : index
    %swap3A_94 = arith.constant 4096 : index
    %swap3A_95 = vector.load %arg4[%swap3A_92, %swap3A_93, %swap3A_94] : memref<2x256x10240xf32, #tpu.memory_space<vmem>>, vector<1x256x2048xf32>
    %swap3A_96 = vector.shape_cast %swap3A_95 : vector<1x256x2048xf32> to vector<256x2048xf32>
    %swap3A_97 = vector.shape_cast %dot_general3A_91 : vector<256x2048xf32> to vector<1x256x2048xf32>
    tpu.vector_store %arg4[%swap3A_92, %swap3A_93, %swap3A_94], %swap3A_97 {strides = array<i32>} : memref<2x256x10240xf32, #tpu.memory_space<vmem>>, vector<1x256x2048xf32>,
    %get3A_98 = arith.constant 16384 : index
    %get3A_99 = arith.constant 0 : index
    %get3A_100 = vector.load %arg2[%get3A_98, %get3A_99] : memref<20480x128xf32, #tpu.memory_space<vmem>>, vector<2048x128xf32>
    %dot_general3A_101 = arith.constant dense<0.000000e+00> : vector<256x2048xf32>
    %dot_general3A_102 = tpu.matmul %select_n3A, %get3A_100, %dot_general3A_101 {dimension_numbers = #tpu.dot_dimension_numbers<[1], [1], [0], [0], [0, 0, 1, 0], [], []>, transpose_lhs_hint = false} : vector<256x128xf32>, vector<2048x128xf32>, vector<256x2048xf32> -> vector<256x2048xf32>
    %swap3A_103 = arith.constant 1 : index
    %swap3A_104 = arith.constant 0 : index
    %swap3A_105 = arith.constant 6144 : index
    %swap3A_106 = vector.load %arg4[%swap3A_103, %swap3A_104, %swap3A_105] : memref<2x256x10240xf32, #tpu.memory_space<vmem>>, vector<1x256x2048xf32>
    %swap3A_107 = vector.shape_cast %swap3A_106 : vector<1x256x2048xf32> to vector<256x2048xf32>
    %swap3A_108 = vector.shape_cast %dot_general3A_102 : vector<256x2048xf32> to vector<1x256x2048xf32>
    tpu.vector_store %arg4[%swap3A_103, %swap3A_104, %swap3A_105], %swap3A_108 {strides = array<i32>} : memref<2x256x10240xf32, #tpu.memory_space<vmem>>, vector<1x256x2048xf32>,
    %get3A_109 = arith.constant 18432 : index
    %get3A_110 = arith.constant 0 : index
    %get3A_111 = vector.load %arg2[%get3A_109, %get3A_110] : memref<20480x128xf32, #tpu.memory_space<vmem>>, vector<2048x128xf32>
    %dot_general3A_112 = arith.constant dense<0.000000e+00> : vector<256x2048xf32>
    %dot_general3A_113 = tpu.matmul %select_n3A, %get3A_111, %dot_general3A_112 {dimension_numbers = #tpu.dot_dimension_numbers<[1], [1], [0], [0], [0, 0, 1, 0], [], []>, transpose_lhs_hint = false} : vector<256x128xf32>, vector<2048x128xf32>, vector<256x2048xf32> -> vector<256x2048xf32>
    %swap3A_114 = arith.constant 1 : index
    %swap3A_115 = arith.constant 0 : index
    %swap3A_116 = arith.constant 8192 : index
    %swap3A_117 = vector.load %arg4[%swap3A_114, %swap3A_115, %swap3A_116] : memref<2x256x10240xf32, #tpu.memory_space<vmem>>, vector<1x256x2048xf32>
    %swap3A_118 = vector.shape_cast %swap3A_117 : vector<1x256x2048xf32> to vector<256x2048xf32>
    %swap3A_119 = vector.shape_cast %dot_general3A_113 : vector<256x2048xf32> to vector<1x256x2048xf32>
    tpu.vector_store %arg4[%swap3A_114, %swap3A_115, %swap3A_116], %swap3A_119 {strides = array<i32>} : memref<2x256x10240xf32, #tpu.memory_space<vmem>>, vector<1x256x2048xf32>,
    %iota3A_120 = tpu.iota {dimensions = array<i32: 1>} : vector<256x10240xi32>
    %iota3A_121 = tpu.iota {dimensions = array<i32: 1>} : vector<256x128xi32>
    %broadcast_in_dim3A_122 = arith.constant 0x7F800000 : f32
    %broadcast_in_dim3A_123 = vector.broadcast %broadcast_in_dim3A_122 : f32 to vector<256x1xf32>
    %scan3A = arith.constant 0 : i32
    %scan3A_124 = arith.constant 2 : i32
    %scan3A_125 = arith.addi %scan3A, %scan3A_124 : i32
    %scan3A_126 = arith.constant 1 : i32
    %scan3A_127 = scf.for %scan3A_141 = %scan3A to %scan3A_125 step %scan3A_126 iter_args(%scan3A_142 = %broadcast_in_dim3A_123) -> (vector<256x1xf32>)  : i32 {
      %get3A_143 = arith.index_cast %scan3A_141 : i32 to index
      %get3A_144 = arith.constant 0 : index
      %get3A_145 = arith.constant 0 : index
      %get3A_146 = vector.load %arg4[%get3A_143, %get3A_144, %get3A_145] : memref<2x256x10240xf32, #tpu.memory_space<vmem>>, vector<1x256x10240xf32>
      %get3A_147 = vector.shape_cast %get3A_146 : vector<1x256x10240xf32> to vector<256x10240xf32>
      %reduce_min3A = arith.constant dense<0x7F800000> : vector<256xf32>
      %reduce_min3A_148 = vector.multi_reduction <minimumf>, %get3A_147, %reduce_min3A [1] : vector<256x10240xf32> to vector<256xf32>
      %broadcast_in_dim3A_149 = vector.shape_cast %reduce_min3A_148 : vector<256xf32> to vector<256x1xf32>
      %min3A = arith.minimumf %scan3A_142, %broadcast_in_dim3A_149 : vector<256x1xf32>
      scf.yield %min3A : vector<256x1xf32>
    }
    %scan3A_128 = arith.constant 2 : i32
    %broadcast_in_dim3A_129 = arith.constant 0 : i32
    %broadcast_in_dim3A_130 = vector.broadcast %broadcast_in_dim3A_129 : i32 to vector<256x128xi32>
    %scan3A_131 = arith.constant 1073741824 : i32
    %scan3A_132 = arith.constant 0 : i32
    %scan3A_133 = arith.constant 20 : i32
    %scan3A_134 = arith.addi %scan3A_132, %scan3A_133 : i32
    %scan3A_135 = arith.constant 1 : i32
    %scan3A_136:2 = scf.for %scan3A_141 = %scan3A_132 to %scan3A_134 step %scan3A_135 iter_args(%scan3A_142 = %scan3A_127, %scan3A_143 = %broadcast_in_dim3A_130) -> (vector<256x1xf32>, vector<256x128xi32>)  : i32 {
      %broadcast_in_dim3A_144 = vector.broadcast %scan3A_131 : i32 to vector<256x1xi32>
      %broadcast_in_dim3A_145 = arith.constant 0x7F800000 : f32
      %broadcast_in_dim3A_146 = vector.broadcast %broadcast_in_dim3A_145 : f32 to vector<256x1xf32>
      %scan3A_147 = arith.constant 0 : i32
      %scan3A_148 = arith.constant 2 : i32
      %scan3A_149 = arith.addi %scan3A_147, %scan3A_148 : i32
      %scan3A_150 = arith.constant 1 : i32
      %scan3A_151:2 = scf.for %scan3A_158 = %scan3A_147 to %scan3A_149 step %scan3A_150 iter_args(%scan3A_159 = %broadcast_in_dim3A_144, %scan3A_160 = %broadcast_in_dim3A_146) -> (vector<256x1xi32>, vector<256x1xf32>)  : i32 {
        %get3A_161 = arith.index_cast %scan3A_158 : i32 to index
        %get3A_162 = arith.constant 0 : index
        %get3A_163 = arith.constant 0 : index
        %get3A_164 = vector.load %arg4[%get3A_161, %get3A_162, %get3A_163] : memref<2x256x10240xf32, #tpu.memory_space<vmem>>, vector<1x256x10240xf32>
        %get3A_165 = vector.shape_cast %get3A_164 : vector<1x256x10240xf32> to vector<256x10240xf32>
        %eq3A_166 = vector.broadcast %scan3A_142 : vector<256x1xf32> to vector<256x10240xf32>
        %eq3A_167 = arith.cmpf oeq, %get3A_165, %eq3A_166 : vector<256x10240xf32>
        %broadcast_in_dim3A_168 = vector.broadcast %scan3A_131 : i32 to vector<256x10240xi32>
        %select_n3A_169 = arith.select %eq3A_167, %iota3A_120, %broadcast_in_dim3A_168 : vector<256x10240xi1>, vector<256x10240xi32>
        %reduce_min3A = arith.constant dense<2147483647> : vector<256xi32>
        %reduce_min3A_170 = vector.multi_reduction <minsi>, %select_n3A_169, %reduce_min3A [1] : vector<256x10240xi32> to vector<256xi32>
        %broadcast_in_dim3A_171 = vector.shape_cast %reduce_min3A_170 : vector<256xi32> to vector<256x1xi32>
        %eq3A_172 = vector.broadcast %scan3A_131 : i32 to vector<256x1xi32>
        %eq3A_173 = arith.cmpi eq, %scan3A_159, %eq3A_172 : vector<256x1xi32>
        %lt3A = vector.broadcast %scan3A_131 : i32 to vector<256x1xi32>
        %lt3A_174 = arith.cmpi slt, %broadcast_in_dim3A_171, %lt3A : vector<256x1xi32>
        %and3A = arith.andi %eq3A_173, %lt3A_174 : vector<256x1xi1>
        %eq3A_175 = vector.broadcast %broadcast_in_dim3A_171 : vector<256x1xi32> to vector<256x10240xi32>
        %eq3A_176 = arith.cmpi eq, %iota3A_120, %eq3A_175 : vector<256x10240xi32>
        %and3A_177 = vector.broadcast %and3A : vector<256x1xi1> to vector<256x10240xi1>
        %and3A_178 = arith.andi %and3A_177, %eq3A_176 : vector<256x10240xi1>
        %jit3A_179 = arith.constant 1.000000e+30 : f32
        %broadcast_in_dim3A_180 = vector.broadcast %jit3A_179 : f32 to vector<256x10240xf32>
        %select_n3A_181 = arith.select %and3A_178, %broadcast_in_dim3A_180, %get3A_165 : vector<256x10240xi1>, vector<256x10240xf32>
        %swap3A_182 = arith.index_cast %scan3A_158 : i32 to index
        %swap3A_183 = arith.constant 0 : index
        %swap3A_184 = arith.constant 0 : index
        %swap3A_185 = vector.load %arg4[%swap3A_182, %swap3A_183, %swap3A_184] : memref<2x256x10240xf32, #tpu.memory_space<vmem>>, vector<1x256x10240xf32>
        %swap3A_186 = vector.shape_cast %swap3A_185 : vector<1x256x10240xf32> to vector<256x10240xf32>
        %swap3A_187 = vector.shape_cast %select_n3A_181 : vector<256x10240xf32> to vector<1x256x10240xf32>
        tpu.vector_store %arg4[%swap3A_182, %swap3A_183, %swap3A_184], %swap3A_187 {strides = array<i32>} : memref<2x256x10240xf32, #tpu.memory_space<vmem>>, vector<1x256x10240xf32>,
        %mul3A_188 = arith.constant 10240 : i32
        %mul3A_189 = arith.muli %scan3A_158, %mul3A_188 : i32
        %add3A = vector.broadcast %mul3A_189 : i32 to vector<256x1xi32>
        %add3A_190 = arith.addi %broadcast_in_dim3A_171, %add3A : vector<256x1xi32>
        %select_n3A_191 = arith.select %and3A, %add3A_190, %scan3A_159 : vector<256x1xi1>, vector<256x1xi32>
        %reduce_min3A_192 = arith.constant dense<0x7F800000> : vector<256xf32>
        %reduce_min3A_193 = vector.multi_reduction <minimumf>, %select_n3A_181, %reduce_min3A_192 [1] : vector<256x10240xf32> to vector<256xf32>
        %broadcast_in_dim3A_194 = vector.shape_cast %reduce_min3A_193 : vector<256xf32> to vector<256x1xf32>
        %min3A = arith.minimumf %scan3A_160, %broadcast_in_dim3A_194 : vector<256x1xf32>
        scf.yield %select_n3A_191, %min3A : vector<256x1xi32>, vector<256x1xf32>
      }
      %scan3A_152 = arith.constant 2 : i32
      %eq3A_153 = vector.broadcast %scan3A_141 : i32 to vector<256x128xi32>
      %eq3A_154 = arith.cmpi eq, %iota3A_121, %eq3A_153 : vector<256x128xi32>
      %broadcast_in_dim3A_155 = vector.shape_cast %scan3A_151#0 : vector<256x1xi32> to vector<256x1xi32>
      %broadcast_in_dim3A_156 = vector.broadcast %broadcast_in_dim3A_155 : vector<256x1xi32> to vector<256x128xi32>
      %select_n3A_157 = arith.select %eq3A_154, %broadcast_in_dim3A_156, %scan3A_143 : vector<256x128xi1>, vector<256x128xi32>
      scf.yield %scan3A_151#1, %select_n3A_157 : vector<256x1xf32>, vector<256x128xi32>
    }
    %scan3A_137 = arith.constant 20 : i32
    %swap3A_138 = arith.constant 0 : index
    %swap3A_139 = arith.constant 0 : index
    %swap3A_140 = vector.load %arg3[%swap3A_138, %swap3A_139] : memref<256x128xi32, #tpu.memory_space<vmem>>, vector<256x128xi32>
    tpu.vector_store %arg3[%swap3A_138, %swap3A_139], %scan3A_136#1 {strides = array<i32>} : memref<256x128xi32, #tpu.memory_space<vmem>>, vector<256x128xi32>,
    return
  }
  func.func @transform_0(%arg0: i32) -> (i32, i32) {
    %c0_i32 = arith.constant 0 : i32
    %c0_i32_0 = arith.constant 0 : i32
    return %arg0, %c0_i32 : i32, i32
  }
  func.func @transform_1(%arg0: i32) -> (i32, i32) {
    %c0_i32 = arith.constant 0 : i32
    %c0_i32_0 = arith.constant 0 : i32
    %c0_i32_1 = arith.constant 0 : i32
    return %c0_i32, %c0_i32_0 : i32, i32
  }
  func.func @transform_2(%arg0: i32) -> (i32, i32) {
    %c0_i32 = arith.constant 0 : i32
    %c0_i32_0 = arith.constant 0 : i32
    return %arg0, %c0_i32 : i32, i32
  }
}

</mosaic_0001>

<sc_bundles>
// kernel: kernel.6.cloned.1.call-start
scs
__scs_entry_jumppad:
0x0: {  	(pc) =	sbr.rel $0x88, $3  }
0x1: {  	(tag) =	ssettag $0x0;
	lr =	simm.s32 $0x1  }
0x2: {  	[smem:$0x3F9A] =	sst lr;
	_ =	strace $0xD0000000  }
0x3: {  	_ = 	snop  }
0x4: {  	_ = 	snop  }
0x5: {  	_ = 	snop  }
0x6: {  	_ = 	snop  }
0x7: {  	_ = 	snop  }
__scs_overlays_trampoline_lowered:
0x8: {  	[smem:$0x3FA9] =	sst s0  }
0x9: {  	[smem:$0x3FAA] =	sst s1  }
0xa: {  	[smem:$0x3FAB] =	sst s2  }
0xb: {  	[smem:$0x3FAC] =	sst s3  }
0xc: {  	[smem:$0x3FAD] =	sst s4  }
0xd: {  	[smem:$0x3FAE] =	sst s5  }
0xe: {  	[smem:$0x3FAF] =	sst s6  }
0xf: {  	[smem:$0x3FB0] =	sst s7  }
0x10: {  	[smem:$0x3FB1] =	sst s8  }
0x11: {  	[smem:$0x3FB2] =	sst s9;
	s0 =	simm.s32 @!p0 $0x0  }
0x12: {  	s1 =	sld [smem:$0x3F98];
	s0 =	simm.s32 @p0 $0x1  }
0x13: {  	[smem:$0x3FB3] =	sst s0;
	s0 =	simm.s32 @!p1 $0x0  }
0x14: {  	s2 =	sld [smem:$0x3F97];
	s0 =	simm.s32 @p1 $0x1  }
0x15: {  	[smem:$0x3FB4] =	sst s0;
	s0 =	simm.s32 @!p2 $0x0  }
0x16: {  	s3 =	sld [smem:$0x3FDB];
	s0 =	simm.s32 @p2 $0x1  }
0x17: {  	s4 =	simm.s32 $0x1BF5;
	[smem:$0x3FB6] =	sst s0  }
0x18: {  	s0 =	sld [smem:$0x3F99];
	_ =	swait.ge [sflag:s4], $0x0  }
0x19: {  	s7 =	sld [smem:$0x3F9A]  }
0x1a: {  	s8 =	sadd.s32 $0xFFFFE003, lr  }
0x1b: {  	s9 =	sadd.s32 $0xFFFFFEF7, lr;
	s5 =	simm.s32 $0xFFFFFFFF;
	p2 =	slt.u32 s8, $0xFFFFF086  }
0x1c: {  	p1 =	slt.u32 s9, $0xF7A;
	s5 =	simm.s32 @!p2 $0x0  }
0x1d: {  	s5 =	simm.s32 @p1 $0x1;
	p0 =	seq.s32 s7, s2  }
0x1e: {  	s7 =	smul.u32 @!p0 $0xF7A, s2;
	p2 =	seq.s32 @!p0 s5, $0x0  }
0x1f: {  	s9 =	smul.u32 $0xF7A, s1;
	s8 =	simm.s32 @!p0 $0x1BF5;
	p2 =	por !p2, p0  }
0x20: {  	[sflag:s8] =	ssyncset.s32 @!p0 $0xFFFFF086;
	s6 =	sadd.s32 @!p0 s3, s7;
	s7 =	simm.s32 @!p0 $0x108  }
0x21: {  	s3 =	sadd.s32 s3, s9;
	s6 =	sadd.s32 @!p0 $0x88, s6;
	s7 =	simm.s32 @p2 $0x1082  }
0x22: {  	[simem:s7], [sflag:s8] =	dma.local @!p0 [hbm:s6], $0xF7A  }
0x23: {  	s9 =	sor.u32 $0xD0000000, s2;
	s6 =	simm.s32 $0x108;
	_ =	swait.ge @!p0 [sflag:s8], $0x0  }
0x24: {  	s3 =	sadd.s32 $0x88, s3;
	s6 =	simm.s32 @!p1 $0x1082;
	[sflag:s4] =	ssyncset.s32 $0xFFFFF086  }
0x25: {  	[simem:s6], [sflag:s4] =	dma.local [hbm:s3], $0xF7A  }
0x26: {  	[smem:$0x3F9A] =	sst s1;
	(tag) =	ssettag s2;
	_ =	strace s9  }
0x27: {  	s1 =	sld [smem:$0x3FAA]  }
0x28: {  	s2 =	sld [smem:$0x3FAB]  }
0x29: {  	s4 =	sld [smem:$0x3FAD]  }
0x2a: {  	p0 =	seq.s32 s5, $0x0;
	s5 =	sld [smem:$0x3FAE]  }
0x2b: {  	s6 =	sld [smem:$0x3FAF]  }
0x2c: {  	s7 =	sld [smem:$0x3FB0]  }
0x2d: {  	s3 =	simm.s32 $0x108;
	s8 =	sld [smem:$0x3FB1]  }
0x2e: {  	s3 =	simm.s32 @!p0 $0x1082;
	s9 =	sld [smem:$0x3FB2]  }
0x2f: {  	lr =	sadd.s32 s0, s3;
	s0 =	sld [smem:$0x3FA9]  }
0x30: {  	s3 =	sld [smem:$0x3FAC]  }
0x31: {  	[smem:$0x3FB5] =	sst s10  }
0x32: {  	s10 =	sld [smem:$0x3FB3];
	_ =	sdelay $0x3  }
0x33: {  	p0 =	seq.s32 s10, $0x1;
	s10 =	sld [smem:$0x3FB5];
	_ =	sdelay $0x3  }
0x34: {  	[smem:$0x3FB5] =	sst s10  }
0x35: {  	s10 =	sld [smem:$0x3FB4];
	_ =	sdelay $0x3  }
0x36: {  	p1 =	seq.s32 s10, $0x1;
	s10 =	sld [smem:$0x3FB5];
	_ =	sdelay $0x3  }
0x37: {  	[smem:$0x3FB5] =	sst s10  }
0x38: {  	s10 =	sld [smem:$0x3FB6]  }
0x39: {  	_ = 	snop;
	(pc) =	sbr.ind lr, $3  }
0x3a: {  	_ = 	snop  }
0x3b: {  	_ = 	snop  }
0x3c: {  	p2 =	seq.s32 s10, $0x1;
	s10 =	sld [smem:$0x3FB5]  }
0x3d: {  	_ =	shalt  }
0x3e: {  	_ =	shalt  }
0x3f: {  	_ =	shalt  }
0x40: {  	_ =	shalt  }
0x41: {  	_ =	shalt  }
0x42: {  	_ =	shalt  }
0x43: {  	_ =	shalt  }
0x44: {  	_ =	shalt  }
0x45: {  	_ =	shalt  }
0x46: {  	_ =	shalt  }
0x47: {  	_ =	shalt  }
0x48: {  	_ =	shalt  }
0x49: {  	_ =	shalt  }
0x4a: {  	_ =	shalt  }
0x4b: {  	_ =	shalt  }
0x4c: {  	_ =	shalt  }
0x4d: {  	_ =	shalt  }
0x4e: {  	_ =	shalt  }
0x4f: {  	_ =	shalt  }
0x50: {  	_ =	shalt  }
0x51: {  	_ =	shalt  }
0x52: {  	_ =	shalt  }
0x53: {  	_ =	shalt  }
0x54: {  	_ =	shalt  }
0x55: {  	_ =	shalt  }
0x56: {  	_ =	shalt  }
0x57: {  	_ =	shalt  }
0x58: {  	_ =	shalt  }
0x59: {  	_ =	shalt  }
0x5a: {  	_ =	shalt  }
0x5b: {  	_ =	shalt  }
0x5c: {  	_ =	shalt  }
0x5d: {  	_ =	shalt  }
0x5e: {  	_ =	shalt  }
0x5f: {  	_ =	shalt  }
0x60: {  	_ =	shalt  }
0x61: {  	_ =	shalt  }
0x62: {  	_ =	shalt  }
0x63: {  	_ =	shalt  }
0x64: {  	_ =	shalt  }
0x65: {  	_ =	shalt  }
0x66: {  	_ =	shalt  }
0x67: {  	_ =	shalt  }
0x68: {  	_ =	shalt  }
0x69: {  	_ =	shalt  }
0x6a: {  	_ =	shalt  }
0x6b: {  	_ =	shalt  }
0x6c: {  	_ =	shalt  }
0x6d: {  	_ =	shalt  }
0x6e: {  	_ =	shalt  }
0x6f: {  	_ =	shalt  }
0x70: {  	_ =	shalt  }
0x71: {  	_ =	shalt  }
0x72: {  	_ =	shalt  }
0x73: {  	_ =	shalt  }
0x74: {  	_ =	shalt  }
0x75: {  	_ =	shalt  }
0x76: {  	_ =	shalt  }
0x77: {  	_ =	shalt  }
0x78: {  	_ =	shalt  }
0x79: {  	_ =	shalt  }
0x7a: {  	_ =	shalt  }
0x7b: {  	_ =	shalt  }
0x7c: {  	_ =	shalt  }
0x7d: {  	_ =	shalt  }
0x7e: {  	_ =	shalt  }
0x7f: {  	_ =	shalt  }
0x80: {  	_ =	shalt  }
0x81: {  	_ =	shalt  }
0x82: {  	_ =	shalt  }
0x83: {  	_ =	shalt  }
0x84: {  	_ =	shalt  }
0x85: {  	_ =	shalt  }
0x86: {  	_ =	shalt  }
0x87: {  	_ =	shalt  }
.Lfunc_end0:
.L_simem_size_0:
called_computation_lowered:
.L_overlay_start_0:
0x88: {  	s2 =	sld [smem:$0x3FD9]  }
0x89: {  	s3 =	sld [smem:$0x3FFE];
	_ =	sdelay $0x1  }
0x8a: {  	s1 =	srdreg.scid  }
0x8b: {  	s0 =	sand.u32 $0x1, s1  }
0x8c: {  	s17 =	sshll.u32 s0, $0xA;
	s2 =	sadd.s32 s3, s2  }
0x8d: {  	s2 =	sadd.s32 s2, s17  }
0x8e: {  	[smem:$0x3FC1] =	sst s2  }
0x8f: {  	_ = 	snop  }
0x90: {  	s2 =	sld [smem:$0x3FD0];
	(tm) =	ssettm $0x1  }
0x91: {  	s18 =	sld [smem:$0x3FFB];
	_ =	sdelay $0x3  }
0x92: {  	_ =	strace s18  }
0x93: {  	s3 =	sld [smem:$0x3FFC];
	_ =	sdelay $0x3  }
0x94: {  	_ =	strace s3  }
0x95: {  	s3 =	sld [smem:$0x3FFD];
	_ =	sdelay $0x3  }
0x96: {  	_ =	strace s3  }
0x97: {  	_ =	strace $0x8FFFFFFF  }
0x98: {  	s19 =	sld [smem:$0x3FDB];
	_ =	sdelay $0x1  }
0x99: {  	s4 =	simm.s32 $_scs_section_size  }
0x9a: {  	s5 =	simm.s32 $_size__tile_overlayer_lowered;
	s6 =	simm.s32 $_tile_overlayer_lowered  }
0x9b: {  	s22 =	simm.s32 $0x1BFF;
	s21 =	sshll.u32 s6, $0x1;
	s3 =	sadd.s32 s4, s19  }
0x9c: {  	s7 =	simm.s32 $0x0;
	s20 =	sshll.u32 s5, $0x1;
	s5 =	sadd.s32 s21, s3  }
0x9d: {  	[timem:s7], [sflag:s22] =	dma.local [hbm:s5], s20  }
0x9e: {  	_ =	swait.ge [sflag:s22], s20  }
0x9f: {  	s4 =	ssub.s32 $0x0, s20;
	[sflag:s22] =	ssyncset.done $0x0  }
0xa0: {  	[sflag:s22] =	ssyncadd.s32 s4;
	_ =	sdelay $0x1  }
0xa1: {  	s23 =	simm.s32 $0x1B8B  }
0xa2: {  	_ =	swait.ge [sflag:s23], $0x1  }
0xa3: {  	[sflag:s23] =	ssyncset.done $0x0  }
0xa4: {  	s25 =	simm.s32 $0x1B8E;
	s24 =	sld [smem:$0x3FFE];
	[sflag:s23] =	ssyncadd.s32 $0xFFFFFFFF  }
0xa5: {  	s26 =	simm.s32 $execute0_lowered;
	[smem:$0x3FD2] =	sst s25  }
0xa6: {  	s5 =	sshll.u32 s26, $0x1;
	_ =	strace $0x80000046;
	[dreg:$0x1] =	wrdreg $0xFFFFFFFF  }
0xa7: {  	s28 =	simm.s32 $_size_execute0_lowered;
	s3 =	sadd.s32 s3, s5;
	[dreg:$0x0] =	wrdreg $0x0  }
0xa8: {  	s5 =	sshll.u32 s28, $0x1;
	[dreg:$0x2] =	wrdreg s3  }
0xa9: {  	[dreg:$0x3] =	wrdreg s5  }
0xaa: {  	[dreg:$0x4] =	wrdreg $0xC0  }
0xab: {  	_ =	task [dreg:s7], $0x5FFFF  }
0xac: {  	[dreg:$0x1] =	wrdreg $0xFFFFFFFF  }
0xad: {  	[dreg:$0x0] =	wrdreg $0x60  }
0xae: {  	[dreg:$0x2] =	wrdreg s24  }
0xaf: {  	[dreg:$0x3] =	wrdreg s2  }
0xb0: {  	[dreg:$0x4] =	wrdreg $0x9  }
0xb1: {  	_ =	task.clear_ibuf [dreg:s7], $0x5FFFF;
	_ =	strace $0x90000046  }
0xb2: {  	s29 =	simm.s32 $0x9;
	_ =	strace $0x80000048  }
0xb3: {  	_ =	swait.ge [sflag:s29], $0x1  }
0xb4: {  	[sflag:s29] =	ssyncadd.s32 $0xFFFFFFFF  }
0xb5: {  	_ =	strace $0x90000048  }
0xb6: {  	_ =	sfence  }
0xb7: {  	s30 =	sld [smem:$0x0];
	_ =	sdelay $0x2  }
0xb8: {  	s31 =	sshll.u32 s1, $0xD;
	s1 =	sshrl.u32 s1, $0x2  }
0xb9: {  	s3 =	sand.u32 $0x4000, s31;
	s1 =	sadd.s32 s1, s30  }
0xba: {  	s0 =	sor.u32 s3, s0;
	s1 =	sshll.u32 s1, $0x11  }
0xbb: {  	s0 =	sor.u32 s1, s0  }
0xbc: {  	s0 =	sadd.s32 $0x8F2B, s0  }
0xbd: {  	[sflag:s0] =	ssyncadd.remote.s32 $0x1  }
0xbe: {  	_ =	sfence.sel $0xFFFF  }
0xbf: {  	[dreg:$0x0] =	wrdreg $0xFFFFFFFF;
	(pc) =	sbr.abs _section_cstart, $3  }
0xc0: {  	[dreg:$0x1] =	wrdreg $0xFFFFFFFF  }
0xc1: {  	_ =	task.clear_ibuf [dreg:s7], $0x2FFFF;
	_ =	strace $0x9FFFFFFF  }
0xc2: {  	(tm) =	ssettm $0x7FFFFFFF  }
0xc3: {  	_ =	shalt  }
tec
execute0_lowered:
.L_overlay_start_1:
0x0: {  	(tag) =	ssettag $0x1  }
0x1: {  	s5 =	rddreg [dreg:$0x0]  }
0x2: {  	s1 =	srdreg.scid;
	s0 =	stileid.u32  }
0x3: {  	s4 =	rddreg [dreg:$0x1];
	s2 =	simm.s32 $0x0;
	s12 =	simm.s32 $0x80  }
0x4: {  	s13 =	simm.s32 $0x100;
	s14 =	simm.s32 $0x180;
	s15 =	simm.s32 $0x200  }
0x5: {  	s16 =	simm.s32 $0x400;
	s17 =	simm.s32 $0x4400;
	s18 =	simm.s32 $0x8400  }
0x6: {  	s19 =	simm.s32 $0xC400;
	s20 =	simm.s32 $0x10400;
	s21 =	simm.s32 $0x1  }
0x7: {  	s22 =	simm.s32 $0x14400;
	s6 =	sand.u32 $0x1, s1;
	s3 =	sshll.u32 s0, $0x1  }
0x8: {  	s23 =	simm.s32 $0x0;
	[smem:$0x7FF] =	sst s2;
	s7 =	sor.u32 s6, s3  }
0x9: {  	s1 =	rddreg [dreg:$0x2];
	_ =	strace $0x80000047;
	s8 =	smul.u32 $0x280, s7  }
0xa: {  	s3 =	sadd.s32 $0x1600, s5;
	s6 =	ssub.s32 $0x2, s6;
	s7 =	sshll.u32 s7, $0x9  }
0xb: {  	s9 =	sshrl.u32 s6, $0x1;
	s10 =	sadd.s32 s7, s5;
	s8 =	sshrl.u32 s8, $0x3  }
0xc: {  	s11 =	ssub.s32 s6, s9;
	s9 =	sadd.s32 $0x51600, s10;
	s4 =	sadd.s32 s4, s8  }
0xd: {  	s10 =	smax.u32 s11, $0x1;
	s11 =	simm.s32 $0x2;
	s5 =	sadd.s32 $0x10, s4  }
0xe: {  	v0 =	vimm.f32 $0.0e+00;
	s6 =	sadd.s32 $0x20, s4;
	s7 =	sadd.s32 $0x30, s4;
	s8 =	sadd.s32 $0x40, s4  }
.LBB2_1:
0xf: {  	[tilespmem:s2], [sflag:$0x2] =	stream.linear.gather [hbm4b:s4+s2], $0x80, $0x38;
	[tilespmem:$0x15400] =	vst v63  }
0x10: {  	_ =	swait.ge [sflag:s11], $0x80  }
0x11: {  	[sflag:s11] =	ssyncset.done $0x0  }
0x12: {  	[sflag:s11] =	ssyncadd.s32 $0xFFFFFF80  }
0x13: {  	[tilespmem:s12], [sflag:$0x2] =	stream.linear.gather [hbm4b:s5+s2], $0x80, $0x38;
	[tilespmem:$0x15400] =	vst v63  }
0x14: {  	_ =	swait.ge [sflag:s11], $0x80  }
0x15: {  	[sflag:s11] =	ssyncset.done $0x0  }
0x16: {  	[sflag:s11] =	ssyncadd.s32 $0xFFFFFF80  }
0x17: {  	[tilespmem:s13], [sflag:$0x2] =	stream.linear.gather [hbm4b:s6+s2], $0x80, $0x38;
	[tilespmem:$0x15400] =	vst v63  }
0x18: {  	_ =	swait.ge [sflag:s11], $0x80  }
0x19: {  	[sflag:s11] =	ssyncset.done $0x0  }
0x1a: {  	[sflag:s11] =	ssyncadd.s32 $0xFFFFFF80  }
0x1b: {  	[tilespmem:s14], [sflag:$0x2] =	stream.linear.gather [hbm4b:s7+s2], $0x80, $0x38;
	[tilespmem:$0x15400] =	vst v63  }
0x1c: {  	_ =	swait.ge [sflag:s11], $0x80  }
0x1d: {  	[sflag:s11] =	ssyncset.done $0x0  }
0x1e: {  	[sflag:s11] =	ssyncadd.s32 $0xFFFFFF80  }
0x1f: {  	[tilespmem:s15], [sflag:$0x2] =	stream.linear.gather [hbm4b:s8+s2], $0x80, $0x38;
	[tilespmem:$0x15400] =	vst v63  }
0x20: {  	_ =	swait.ge [sflag:s11], $0x80  }
0x21: {  	[sflag:s11] =	ssyncset.done $0x0  }
0x22: {  	[sflag:s11] =	ssyncadd.s32 $0xFFFFFF80  }
0x23: {  	[tilespmem:s16], [sflag:$0x1] =	stream.indirect.gather [hbm4b:s3+s12], $0x80, s2, s12, $0xb8;
	[tilespmem:$0x15400] =	vst v63  }
0x24: {  	_ = 	snop  }
0x25: {  	[tilespmem:s17], [sflag:$0x1] =	stream.indirect.gather [hbm4b:s3+s12], $0x80, s12, s12, $0xb8;
	[tilespmem:$0x15400] =	vst v63  }
0x26: {  	_ = 	snop  }
0x27: {  	[tilespmem:s18], [sflag:$0x1] =	stream.indirect.gather [hbm4b:s3+s12], $0x80, s13, s12, $0xb8;
	[tilespmem:$0x15400] =	vst v63  }
0x28: {  	_ = 	snop  }
0x29: {  	[tilespmem:s19], [sflag:$0x1] =	stream.indirect.gather [hbm4b:s3+s12], $0x80, s14, s12, $0xb8;
	[tilespmem:$0x15400] =	vst v63  }
0x2a: {  	_ = 	snop  }
0x2b: {  	[tilespmem:s20], [sflag:$0x1] =	stream.indirect.gather [hbm4b:s3+s12], $0x80, s15, s12, $0xb8;
	[tilespmem:$0x15400] =	vst v63  }
0x2c: {  	_ =	swait.ge [sflag:s21], $0x4000  }
0x2d: {  	[sflag:s21] =	ssyncset.done $0x0  }
0x2e: {  	[sflag:s21] =	ssyncadd.s32 $0xFFFFC000  }
0x2f: {  	_ =	swait.ge [sflag:s21], $0x4000  }
0x30: {  	[sflag:s21] =	ssyncset.done $0x0  }
0x31: {  	[sflag:s21] =	ssyncadd.s32 $0xFFFFC000  }
0x32: {  	_ =	swait.ge [sflag:s21], $0x4000  }
0x33: {  	[sflag:s21] =	ssyncset.done $0x0  }
0x34: {  	[sflag:s21] =	ssyncadd.s32 $0xFFFFC000  }
0x35: {  	_ =	swait.ge [sflag:s21], $0x4000  }
0x36: {  	[sflag:s21] =	ssyncset.done $0x0  }
0x37: {  	[sflag:s21] =	ssyncadd.s32 $0xFFFFC000  }
0x38: {  	_ =	swait.ge [sflag:s21], $0x4000  }
0x39: {  	[sflag:s21] =	ssyncset.done $0x0  }
0x3a: {  	s24 =	simm.s32 $0x900;
	s25 =	simm.s32 $0x0;
	[sflag:s21] =	ssyncadd.s32 $0xFFFFC000  }
.LBB2_2:
0x3b: {  	v1 =	vld [tilespmem:s24+$0xFFFFFB00]  }
0x3c: {  	v2 =	vld [tilespmem:s24+$0xFFFFFB10]  }
0x3d: {  	v3 =	vld [tilespmem:s24+$0xFFFFFB80]  }
0x3e: {  	v4 =	vld [tilespmem:s24+$0xFFFFFB90]  }
0x3f: {  	v5 =	vld [tilespmem:s24+$0xFFFFFC00]  }
0x40: {  	v6 =	vld [tilespmem:s24+$0xFFFFFC10];
	v1 =	vadd.f32 $0.0e+00, v1  }
0x41: {  	v7 =	vld [tilespmem:s24+$0xFFFFFC80];
	v2 =	vadd.f32 $0.0e+00, v2  }
0x42: {  	v1 =	vadd.f32 v3, v1;
	v3 =	vld [tilespmem:s24+$0xFFFFFC90]  }
0x43: {  	v38 =	vld [tilespmem:s24+$0xFFFFFD00];
	v2 =	vadd.f32 v4, v2  }
0x44: {  	v39 =	vld [tilespmem:s24+$0xFFFFFD10];
	v1 =	vadd.f32 v5, v1  }
0x45: {  	v40 =	vld [tilespmem:s24+$0xFFFFFD80];
	v2 =	vadd.f32 v6, v2  }
0x46: {  	v41 =	vld [tilespmem:s24+$0xFFFFFD90];
	v1 =	vadd.f32 v7, v1  }
0x47: {  	v2 =	vadd.f32 v3, v2;
	v3 =	vld [tilespmem:s24+$0xFFFFFE00]  }
0x48: {  	v42 =	vld [tilespmem:s24+$0xFFFFFE10];
	v1 =	vadd.f32 v38, v1  }
0x49: {  	v43 =	vld [tilespmem:s24+$0xFFFFFE80];
	v2 =	vadd.f32 v39, v2  }
0x4a: {  	v44 =	vld [tilespmem:s24+$0xFFFFFE90];
	v1 =	vadd.f32 v40, v1  }
0x4b: {  	v45 =	vld [tilespmem:s24+$0xFFFFFF00];
	v2 =	vadd.f32 v41, v2  }
0x4c: {  	v1 =	vadd.f32 v3, v1;
	v3 =	vld [tilespmem:s24+$0xFFFFFF10]  }
0x4d: {  	v46 =	vld [tilespmem:s24+$0xFFFFFF80];
	v2 =	vadd.f32 v42, v2  }
0x4e: {  	v47 =	vld [tilespmem:s24+$0xFFFFFF90];
	v1 =	vadd.f32 v43, v1  }
0x4f: {  	v48 =	vld [tilespmem:s24+$0x0];
	v2 =	vadd.f32 v44, v2  }
0x50: {  	v49 =	vld [tilespmem:s24+$0x10];
	v1 =	vadd.f32 v45, v1  }
0x51: {  	v2 =	vadd.f32 v3, v2;
	v3 =	vld [tilespmem:s24+$0x80]  }
0x52: {  	v50 =	vld [tilespmem:s24+$0x90];
	v1 =	vadd.f32 v46, v1  }
0x53: {  	v51 =	vld [tilespmem:s24+$0x100];
	v2 =	vadd.f32 v47, v2  }
0x54: {  	v52 =	vld [tilespmem:s24+$0x110];
	v1 =	vadd.f32 v48, v1  }
0x55: {  	v53 =	vld [tilespmem:s24+$0x180];
	v2 =	vadd.f32 v49, v2  }
0x56: {  	v1 =	vadd.f32 v3, v1;
	v3 =	vld [tilespmem:s24+$0x190]  }
0x57: {  	v54 =	vld [tilespmem:s24+$0x200];
	v2 =	vadd.f32 v50, v2  }
0x58: {  	v55 =	vld [tilespmem:s24+$0x210];
	v1 =	vadd.f32 v51, v1  }
0x59: {  	v56 =	vld [tilespmem:s24+$0x280];
	v2 =	vadd.f32 v52, v2  }
0x5a: {  	v57 =	vld [tilespmem:s24+$0x290];
	v1 =	vadd.f32 v53, v1  }
0x5b: {  	v2 =	vadd.f32 v3, v2;
	v3 =	vld [tilespmem:s24+$0x300]  }
0x5c: {  	v58 =	vld [tilespmem:s24+$0x310];
	v1 =	vadd.f32 v54, v1  }
0x5d: {  	v59 =	vld [tilespmem:s24+$0x380];
	v2 =	vadd.f32 v55, v2  }
0x5e: {  	v60 =	vld [tilespmem:s24+$0x390];
	v1 =	vadd.f32 v56, v1  }
0x5f: {  	v61 =	vld [tilespmem:s24+$0x400];
	v2 =	vadd.f32 v57, v2  }
0x60: {  	v1 =	vadd.f32 v3, v1;
	v3 =	vld [tilespmem:s24+$0x410]  }
0x61: {  	v62 =	vld [tilespmem:s24+$0x480];
	s26 =	sshra.s32 s25, $0x2;
	v2 =	vadd.f32 v58, v2  }
0x62: {  	v63 =	vld [tilespmem:s24+$0x490];
	[tilespmem:s26+$0x14420] =	vst v0;
	v1 =	vadd.f32 v59, v1  }
0x63: {  	[tilespmem:s26+$0x14430] =	vst v0;
	v2 =	vadd.f32 v60, v2  }
0x64: {  	p0 =	sne.s32 s25, $0x3E00;
	[tilespmem:s26+$0x14440] =	vst v0;
	v1 =	vadd.f32 v61, v1  }
.Ltmp0:
0x65: {  	[tilespmem:s26+$0x14450] =	vst v0;
	v2 =	vadd.f32 v3, v2;
	(pc) =	sbr.rel @p0 .LBB2_2-.Ltmp0, $4  }
0x66: {  	[tilespmem:s26+$0x14460] =	vst v0;
	v1 =	vadd.f32 v62, v1  }
0x67: {  	[tilespmem:s26+$0x14470] =	vst v0;
	v2 =	vadd.f32 v63, v2  }
0x68: {  	[tilespmem:s26+$0x14400] =	vst v1  }
0x69: {  	s25 =	sadd.s32 $0x200, s25;
	s24 =	sadd.s32 $0xA00, s24;
	[tilespmem:s26+$0x14410] =	vst v2  }
0x6a: {  	s23 =	sadd.s32 $0x1, s23  }
0x6b: {  	p0 =	sne.s32 s23, s10  }
.Ltmp1:
0x6c: {  	_ = 	snop;
	(pc) =	sbr.rel @p0 .LBB2_1-.Ltmp1, $4  }
0x6d: {  	[hbm4b:s9+s2] =	stream.linear.scatter [tilespmem:s22], [sflag:$0x2], $0x1000, $0x38;
	[tilespmem:$0x15400] =	vst v63  }
0x6e: {  	_ =	swait.ge [sflag:s11], $0x1000  }
0x6f: {  	[sflag:s11] =	ssyncset.done $0x0  }
0x70: {  	[sflag:s11] =	ssyncadd.s32 $0xFFFFF000  }
0x71: {  	_ =	sfence.sel $0x180000  }
0x72: {  	[bflag:$0x0] =	sbarrier.arrive $0xFFFF  }
0x73: {  	p0 =	sne.s32 s0, $0x0;
	_ =	strace $0x90000047  }
0x74: {  	s0 =	sadd.s32 @!p0 $0x100000, s1;
	[bflag:$0x2] =	sbarrier.arrive $0xFFFF  }
0x75: {  	[sflag:s0] =	ssyncadd.tile.s32 @!p0 $0x1;
	_ =	shalt  }
.Lfunc_end2:
_tile_overlayer_lowered:
.L_overlay_start_2:
0x76: {  	(tag) =	ssettag $0x2  }
0x77: {  	s0 =	rddreg [dreg:$0x0];
	s2 =	stileid.u32  }
0x78: {  	s1 =	rddreg [dreg:$0x1];
	p0 =	sne.s32 s2, $0x0  }
0x79: {  	s3 =	rddreg [dreg:$0x2];
	[bflag:$0x3] =	sbarrier.arrive $0xFFFF;
	s2 =	simm.s32 @!p0 $0x1C02  }
0x7a: {  	[timem:s3], [sflag:s2] =	dma.local @!p0 [hbm:s0], s1  }
0x7b: {  	s0 =	simm.s32 @!p0 $0x2  }
0x7c: {  	_ =	swait.ge @!p0 [sflag:s0], s1  }
0x7d: {  	s1 =	ssub.s32 @!p0 $0x0, s1;
	[sflag:s0] =	ssyncset.done @!p0 $0x0  }
0x7e: {  	[sflag:s0] =	ssyncadd.s32 @!p0 s1  }
0x7f: {  	[bflag:$0x3] =	sbarrier.arrive $0xFFFF  }
0x80: {  	_ =	shalt  }

</sc_bundles>
